<compile_context>
chip_gen: v7x
topology: tpu7x:2x2x1
jax: 0.10.2.dev20260603
libtpu: 0.0.44.dev20260713+nightly
codegen_flags: <defaults>
</compile_context>

<pallas_src>
import functools

import jax
import jax.numpy as jnp
from jax import lax
from jax.experimental import pallas as pl
from jax.experimental.pallas import tpu as pltpu
from jax.experimental.pallas import tpu_sc as plsc

EPS = 1e-5

_NC = 2
_NS = 16
_NW = _NC * _NS

_GROW = 128
_GPS = 4
_SLOT_ROWS = _GPS * _GROW


def _sc_gather(flat_tab, gidx3d, b, edim):
    njq = gidx3d.shape[0]
    bpw = b // _NW
    assert bpw * _NW == b and bpw % _GROW == 0
    spw = bpw // _GROW
    nchunk = njq // 4

    mesh = plsc.VectorSubcoreMesh(core_axis_name="c", subcore_axis_name="s")

    @functools.partial(
        pl.kernel,
        mesh=mesh,
        out_type=jax.ShapeDtypeStruct((nchunk, b, 128), jnp.float32),
        compiler_params=pltpu.CompilerParams(use_tc_tiling_on_sc=False),
        scratch_types=[
            pltpu.VMEM((njq, spw, _GROW), jnp.int32),
            pltpu.VMEM((2, bpw, edim), jnp.float32),
            pltpu.SemaphoreType.DMA,
            pltpu.SemaphoreType.DMA,
            pltpu.SemaphoreType.DMA,
            pltpu.SemaphoreType.DMA,
            pltpu.SemaphoreType.DMA,
        ],
    )
    def gather_k(tab_hbm, gidx_hbm, out_hbm, idx_v, rows_v, sem_i,
                 sem_g0, sem_g1, sem_o0, sem_o1):
        sem_g = [sem_g0, sem_g1]
        sem_o = [sem_o0, sem_o1]
        wid = lax.axis_index("s") * _NC + lax.axis_index("c")
        b0 = wid * bpw
        pltpu.async_copy(gidx_hbm.at[:, pl.ds(wid * spw, spw), :], idx_v,
                         sem_i).wait()

        def outer(k, carry):
            descs = []
            for s in range(2):
                jq = 2 * k + s

                @pl.when(k >= 1)
                def _wait_out():
                    pltpu.make_async_copy(
                        rows_v.at[s],
                        out_hbm.at[0, pl.ds(0, bpw), pl.ds(0, edim)],
                        sem_o[s]).wait()

                slot_descs = []
                for t in range(spw):
                    slot_descs.append(pltpu.async_copy(
                        tab_hbm.at[idx_v.at[jq, t]],
                        rows_v.at[s, pl.ds(t * _GROW, _GROW)],
                        sem_g[s]))
                descs.append(slot_descs)
            for s in range(2):
                jq = 2 * k + s
                for d in descs[s]:
                    d.wait()
                j = lax.div(jq, 4)
                q = lax.rem(jq, 4)
                pltpu.async_copy(
                    rows_v.at[s],
                    out_hbm.at[j, pl.ds(b0, bpw), pl.ds(q * edim, edim)],
                    sem_o[s])
            return carry

        lax.fori_loop(0, njq // 2, outer, 0)
        for s in range(2):
            pltpu.make_async_copy(rows_v.at[s],
                                  out_hbm.at[0, pl.ds(0, bpw),
                                             pl.ds(0, edim)],
                                  sem_o[s]).wait()

    return gather_k(flat_tab, gidx3d)


def _prep_body(emb_ref, out_ref):
    x = emb_ref[:, 0, 0, :]
    edim, vocab = x.shape
    q = out_ref.shape[0]
    xp = jnp.pad(x, ((0, 32 - edim), (0, 4 * q - vocab)))
    y = xp.T
    out_ref[...] = jnp.concatenate(
        [y[k * q:(k + 1) * q] for k in range(4)], axis=1)


def _prep_call(emb_tables, vpad):
    nf, vocab, edim = emb_tables.shape
    rows_per_f = vpad * 32 // 128
    emb_t = jnp.transpose(emb_tables, (2, 0, 1)).reshape(edim, nf, 1, vocab)
    return pl.pallas_call(
        _prep_body,
        grid=(nf,),
        in_specs=[pl.BlockSpec((edim, 1, 1, vocab), lambda i: (0, i, 0, 0))],
        out_specs=pl.BlockSpec((rows_per_f, 128), lambda i: (i, 0)),
        out_shape=jax.ShapeDtypeStruct((nf * rows_per_f, 128), jnp.float32),
        compiler_params=pltpu.CompilerParams(
            dimension_semantics=("parallel",)),
    )(emb_t)


def _mlp_body(gath_ref, cont_ref, wct_ref, bc_ref, w1c_ref, w1d_ref,
              bias1_ref, w2_ref, bias2_ref, wo_ref, scal_ref, out_ref):
    a0 = scal_ref[0, 0]
    a1 = scal_ref[0, 1]
    a2 = scal_ref[0, 2]
    bo = scal_ref[0, 3]
    g = jnp.concatenate([gath_ref[j] for j in range(gath_ref.shape[0])],
                        axis=1)
    g = jnp.where(g >= 0, g, a0 * g)
    c = jnp.dot(cont_ref[...], wct_ref[...],
                preferred_element_type=jnp.float32) + bc_ref[...][None, :]
    c = jnp.where(c >= 0, c, a0 * c)
    z = (jnp.dot(g, w1c_ref[...], preferred_element_type=jnp.float32)
         + jnp.dot(c, w1d_ref[...], preferred_element_type=jnp.float32)
         + bias1_ref[...][None, :])
    z = jnp.where(z >= 0, z, a1 * z)
    z2 = jnp.dot(z, w2_ref[...],
                 preferred_element_type=jnp.float32) + bias2_ref[...][None, :]
    z2 = jnp.where(z2 >= 0, z2, a2 * z2)
    out_ref[...] = jnp.dot(z2, wo_ref[...],
                           preferred_element_type=jnp.float32) + bo


def _mlp_call(gath3, cont_x, wct, b_cont, w1c, w1d, bias1, w2s, bias2,
              wot, scalars, tile_b, interpret=False):
    nchunk, b, _ = gath3.shape
    n_cont = cont_x.shape[1]
    grid = (b // tile_b,)
    return pl.pallas_call(
        _mlp_body,
        grid=grid,
        in_specs=[
            pl.BlockSpec((nchunk, tile_b, 128), lambda i: (0, i, 0)),
            pl.BlockSpec((tile_b, n_cont), lambda i: (i, 0)),
            pl.BlockSpec(wct.shape, lambda i: (0, 0)),
            pl.BlockSpec(b_cont.shape, lambda i: (0,)),
            pl.BlockSpec(w1c.shape, lambda i: (0, 0)),
            pl.BlockSpec(w1d.shape, lambda i: (0, 0)),
            pl.BlockSpec(bias1.shape, lambda i: (0,)),
            pl.BlockSpec(w2s.shape, lambda i: (0, 0)),
            pl.BlockSpec(bias2.shape, lambda i: (0,)),
            pl.BlockSpec(wot.shape, lambda i: (0, 0)),
            pl.BlockSpec(scalars.shape, lambda i: (0, 0)),
        ],
        out_specs=pl.BlockSpec((tile_b, 1), lambda i: (i, 0)),
        out_shape=jax.ShapeDtypeStruct((b, 1), jnp.float32),
        compiler_params=pltpu.CompilerParams(
            dimension_semantics=("parallel",)),
        interpret=interpret,
    )(gath3, cont_x, wct, b_cont, w1c, w1d, bias1, w2s, bias2, wot, scalars)


def kernel(cat_x, cont_x, emb_tables, W_cont, b_cont, a0, W1, b1, g1, be1,
           a1, W2, b2, g2, be2, a2, Wo, bo):
    b, nf = cat_x.shape
    vocab = emb_tables.shape[1]
    edim = emb_tables.shape[2]
    epad = 32
    vpad = (vocab + 31) // 32 * 32

    q = vpad // 4
    offs = (jnp.arange(nf, dtype=jnp.int32) * vpad)[None, :]
    cat = cat_x.astype(jnp.int32)
    perm = 4 * (cat % q) + cat // q
    ids = perm + offs
    gidx3 = ids.reshape(b, nf // 4, 4).transpose(1, 2, 0).reshape(
        nf, b // _GROW, _GROW)
    flat_tab = _prep_call(emb_tables, vpad).reshape(nf * vpad, epad)

    gath3 = _sc_gather(flat_tab, gidx3, b, epad)

    inv = 1.0 / jnp.sqrt(jnp.float32(1.0) + EPS)
    s1 = g1 * inv
    w1s = W1.T * s1[None, :]
    bias1 = b1 * s1 + be1
    s2 = g2 * inv
    w2s = W2.T * s2[None, :]
    bias2 = b2 * s2 + be2
    n48 = W_cont.shape[0]
    scalars = jnp.concatenate([a0, a1, a2, bo]).reshape(1, 4)
    w1c = jnp.pad(w1s[n48:].reshape(nf, edim, w1s.shape[1]),
                  ((0, 0), (0, epad - edim), (0, 0)))
    w1c = w1c.reshape(nf * epad, w1s.shape[1])

    return _mlp_call(gath3, cont_x, W_cont.T, b_cont,
                     w1c, w1s[:n48],
                     bias1, w2s, bias2, Wo.T, scalars, tile_b=512)

# --- scband reference (transcript-rebuilt; emitter-appended) ---
"""Pipeline reference for scband-net3-52905407152191 (READ-ONLY COPY).

The authoritative reference and input builder live on the scoring server;
editing this copy changes nothing except your own understanding.
"""

import jax, jax.numpy as jnp
import numpy as np

EPS = 1e-5
B = 16384
NF = 116
VOCAB = 10001  # emb_size + 1 per table
EDIM = 20
CAT_OUT = NF * EDIM  # 2320
HIDDEN_IN = 48 + CAT_OUT  # 2368


def prelu(x, a):
    return jnp.where(x >= 0, x, a * x)


def setup_inputs(seed: int = 0):
    key = jax.random.key(seed)
    ks = jax.random.split(key, 12)
    cat_x = jax.random.randint(ks[0], (B, NF), 0, 10000)
    cont_x = jax.random.normal(ks[1], (B, 14), dtype=jnp.float32)
    emb_tables = jax.random.normal(ks[2], (NF, VOCAB, EDIM), dtype=jnp.float32) * 0.05
    W_cont = jax.random.normal(ks[3], (48, 14), dtype=jnp.float32) * 0.2
    b_cont = jnp.zeros((48,), dtype=jnp.float32)
    a0 = jnp.full((1,), 0.25, dtype=jnp.float32)
    W1 = jax.random.normal(ks[4], (256, HIDDEN_IN), dtype=jnp.float32) * 0.02
    b1 = jnp.zeros((256,), dtype=jnp.float32)
    g1 = jnp.ones((256,), dtype=jnp.float32)
    be1 = jnp.zeros((256,), dtype=jnp.float32)
    a1 = jnp.full((1,), 0.25, dtype=jnp.float32)
    W2 = jax.random.normal(ks[5], (64, 256), dtype=jnp.float32) * 0.05
    b2 = jnp.zeros((64,), dtype=jnp.float32)
    g2 = jnp.ones((64,), dtype=jnp.float32)
    be2 = jnp.zeros((64,), dtype=jnp.float32)
    a2 = jnp.full((1,), 0.25, dtype=jnp.float32)
    Wo = jax.random.normal(ks[6], (1, 64), dtype=jnp.float32) * 0.1
    bo = jnp.zeros((1,), dtype=jnp.float32)
    return {
        'cat_x': cat_x, 'cont_x': cont_x, 'emb_tables': emb_tables,
        'W_cont': W_cont, 'b_cont': b_cont, 'a0': a0,
        'W1': W1, 'b1': b1, 'g1': g1, 'be1': be1, 'a1': a1,
        'W2': W2, 'b2': b2, 'g2': g2, 'be2': be2, 'a2': a2,
        'Wo': Wo, 'bo': bo,
    }


def reference(cat_x, cont_x, emb_tables, W_cont, b_cont, a0, W1, b1, g1, be1, a1, W2, b2, g2, be2, a2, Wo, bo):
    # cont branch
    out = cont_x @ W_cont.T + b_cont  # [B, 48]
    # 116 embedding lookups, concatenated (same order as the torch loop)
    idx = jnp.transpose(cat_x)[:, :, None]  # [NF, B, 1]
    gathered = jnp.take_along_axis(emb_tables, idx, axis=1)  # [NF, B, EDIM]
    gathered = jnp.transpose(gathered, (1, 0, 2)).reshape(cat_x.shape[0], CAT_OUT)
    out = jnp.concatenate([out, gathered], axis=1)  # [B, 2368]
    out = prelu(out, a0)
    # dropout is identity in eval mode
    z = out @ W1.T + b1
    # BatchNorm1d in eval mode with running_mean=0, running_var=1
    z = z / jnp.sqrt(1.0 + EPS) * g1 + be1
    z = prelu(z, a1)
    z = z @ W2.T + b2
    z = z / jnp.sqrt(1.0 + EPS) * g2 + be2
    z = prelu(z, a2)
    return z @ Wo.T + bo  # [B, 1]

if __name__ == "__main__":
    import jax
    _d = setup_inputs()
    print(jax.jit(kernel)(*tuple(_d.values())))

</pallas_src>

<mosaic_0001>
#map = affine_map<(d0, d1) -> (0, 0)>
#map1 = affine_map<(d0, d1) -> (0, 0, 0)>
module attributes {stable_mosaic.version = 14 : i64} {
  func.func @gather_k(%arg0: i32, %arg1: i32, %arg2: memref<1161856x32xf32, #tpu.memory_space<hbm>>, %arg3: memref<116x128x128xi32, #tpu.memory_space<hbm>>, %arg4: memref<29x16384x128xf32, #tpu.memory_space<hbm>>, %arg5: memref<116x4x128xi32, #tpu.memory_space<vmem>>, %arg6: memref<2x512x32xf32, #tpu.memory_space<vmem>>, %arg7: memref<!tpu.dma_semaphore, #tpu.memory_space<semaphore_mem>>, %arg8: memref<!tpu.dma_semaphore, #tpu.memory_space<semaphore_mem>>, %arg9: memref<!tpu.dma_semaphore, #tpu.memory_space<semaphore_mem>>, %arg10: memref<!tpu.dma_semaphore, #tpu.memory_space<semaphore_mem>>, %arg11: memref<!tpu.dma_semaphore, #tpu.memory_space<semaphore_mem>>) attributes {dimension_semantics = [#tpu.dimension_semantics<core_parallel>, #tpu.dimension_semantics<subcore_parallel>], iteration_bounds = array<i64: 2, 16>, scalar_prefetch = 0 : i64, scratch_operands = 7 : i64, tpu.core_type = #tpu.core_type<sc_vector_subcore>, window_params = [{transform_indices = #map}, {transform_indices = #map1}, {transform_indices = #map1}]} {
    %mul3A = arith.constant 2 : i32
    %mul3A_0 = arith.muli %arg1, %mul3A : i32
    %add3A = arith.addi %mul3A_0, %arg0 : i32
    %mul3A_1 = arith.constant 512 : i32
    %mul3A_2 = arith.muli %add3A, %mul3A_1 : i32
    %mul3A_3 = arith.constant 4 : i32
    %mul3A_4 = arith.muli %add3A, %mul3A_3 : i32
    %dma_start3A = arith.constant 0 : i32
    %dma_start3A_5 = arith.constant 0 : i32
    %dma_start3A_6 = tpu.memref_slice %arg3[%dma_start3A, %mul3A_4, %dma_start3A_5] : memref<116x128x128xi32, #tpu.memory_space<hbm>> -> memref<116x4x128xi32, #tpu.memory_space<hbm>>
    %dma_start3A_7 = arith.constant 0 : i32
    %dma_start3A_8 = arith.constant 0 : i32
    %dma_start3A_9 = tpu.memref_slice %arg3[%dma_start3A_7, %mul3A_4, %dma_start3A_8] : memref<116x128x128xi32, #tpu.memory_space<hbm>> -> memref<116x4x128xi32, #tpu.memory_space<hbm>>
    tpu.enqueue_dma source(%dma_start3A_9 : memref<116x4x128xi32, #tpu.memory_space<hbm>>) target(%arg5 : memref<116x4x128xi32, #tpu.memory_space<vmem>>) target_semaphore(%arg7 : memref<!tpu.dma_semaphore, #tpu.memory_space<semaphore_mem>>)
    %dma_wait3A = arith.constant 0 : i32
    %dma_wait3A_10 = arith.constant 0 : i32
    %dma_wait3A_11 = tpu.memref_slice %arg3[%dma_wait3A, %mul3A_4, %dma_wait3A_10] : memref<116x128x128xi32, #tpu.memory_space<hbm>> -> memref<116x4x128xi32, #tpu.memory_space<hbm>>
    %dma_wait3A_12 = arith.constant 0 : i32
    %dma_wait3A_13 = arith.constant 0 : i32
    %dma_wait3A_14 = tpu.memref_slice %arg3[%dma_wait3A_12, %mul3A_4, %dma_wait3A_13] : memref<116x128x128xi32, #tpu.memory_space<hbm>> -> memref<116x4x128xi32, #tpu.memory_space<hbm>>
    tpu.wait_dma2 semaphore(%arg7 : memref<!tpu.dma_semaphore, #tpu.memory_space<semaphore_mem>>) src(%dma_wait3A_14 : memref<116x4x128xi32, #tpu.memory_space<hbm>>) dst(%arg5 : memref<116x4x128xi32, #tpu.memory_space<vmem>>)
    %scan3A = arith.constant 0 : i32
    %scan3A_15 = arith.constant 0 : i32
    %scan3A_16 = arith.constant 58 : i32
    %scan3A_17 = arith.addi %scan3A_15, %scan3A_16 : i32
    %scan3A_18 = arith.constant 1 : i32
    scf.for %scan3A_56 = %scan3A_15 to %scan3A_17 step %scan3A_18  : i32 {
      %mul3A_57 = arith.constant 2 : i32
      %mul3A_58 = arith.muli %mul3A_57, %scan3A_56 : i32
      %add3A_59 = arith.constant 0 : i32
      %add3A_60 = arith.addi %mul3A_58, %add3A_59 : i32
      %ge3A = arith.constant 1 : i32
      %ge3A_61 = arith.cmpi sge, %scan3A_56, %ge3A : i32
      %convert_element_type3A = arith.extui %ge3A_61 : i1 to i32
      %cond3A = arith.constant 0 : i32
      %cond3A_62 = arith.cmpi ne, %convert_element_type3A, %cond3A : i32
      scf.if %cond3A_62 {
        %dma_wait3A_308 = arith.constant 0 : i32
        %dma_wait3A_309 = arith.constant 0 : i32
        %dma_wait3A_310 = arith.constant 0 : i32
        %dma_wait3A_311 = arith.constant 0 : i32
        %dma_wait3A_312 = tpu.memref_slice %arg6[%dma_wait3A_308, %dma_wait3A_310, %dma_wait3A_311] : memref<2x512x32xf32, #tpu.memory_space<vmem>> -> memref<1x512x32xf32, #tpu.memory_space<vmem>>
        %dma_wait3A_313 = tpu.memref_squeeze %dma_wait3A_312 : memref<1x512x32xf32, #tpu.memory_space<vmem>> -> memref<512x32xf32, #tpu.memory_space<vmem>>
        %dma_wait3A_314 = arith.constant 0 : i32
        %dma_wait3A_315 = arith.constant 0 : i32
        %dma_wait3A_316 = tpu.memref_slice %arg4[%dma_wait3A_309, %dma_wait3A_314, %dma_wait3A_315] : memref<29x16384x128xf32, #tpu.memory_space<hbm>> -> memref<1x512x32xf32, #tpu.memory_space<hbm>>
        %dma_wait3A_317 = tpu.memref_squeeze %dma_wait3A_316 : memref<1x512x32xf32, #tpu.memory_space<hbm>> -> memref<512x32xf32, #tpu.memory_space<hbm>>
        %dma_wait3A_318 = arith.constant 0 : i32
        %dma_wait3A_319 = arith.constant 0 : i32
        %dma_wait3A_320 = tpu.memref_slice %arg4[%dma_wait3A_309, %dma_wait3A_318, %dma_wait3A_319] : memref<29x16384x128xf32, #tpu.memory_space<hbm>> -> memref<1x512x32xf32, #tpu.memory_space<hbm>>
        %dma_wait3A_321 = tpu.memref_squeeze %dma_wait3A_320 : memref<1x512x32xf32, #tpu.memory_space<hbm>> -> memref<512x32xf32, #tpu.memory_space<hbm>>
        %dma_wait3A_322 = arith.constant 0 : i32
        %dma_wait3A_323 = arith.constant 0 : i32
        %dma_wait3A_324 = tpu.memref_slice %arg6[%dma_wait3A_308, %dma_wait3A_322, %dma_wait3A_323] : memref<2x512x32xf32, #tpu.memory_space<vmem>> -> memref<1x512x32xf32, #tpu.memory_space<vmem>>
        %dma_wait3A_325 = tpu.memref_squeeze %dma_wait3A_324 : memref<1x512x32xf32, #tpu.memory_space<vmem>> -> memref<512x32xf32, #tpu.memory_space<vmem>>
        tpu.wait_dma2 semaphore(%arg10 : memref<!tpu.dma_semaphore, #tpu.memory_space<semaphore_mem>>) src(%dma_wait3A_325 : memref<512x32xf32, #tpu.memory_space<vmem>>) dst(%dma_wait3A_321 : memref<512x32xf32, #tpu.memory_space<hbm>>)
      } else {
      }
      %dma_start3A_63 = arith.constant 0 : i32
      %dma_start3A_64 = arith.constant 0 : i32
      %dma_start3A_65 = arith.constant 0 : i32
      %dma_start3A_66 = arith.constant 0 : i32
      %dma_start3A_67 = tpu.memref_slice %arg6[%dma_start3A_64, %dma_start3A_65, %dma_start3A_66] : memref<2x512x32xf32, #tpu.memory_space<vmem>> -> memref<1x128x32xf32, #tpu.memory_space<vmem>>
      %dma_start3A_68 = tpu.memref_squeeze %dma_start3A_67 : memref<1x128x32xf32, #tpu.memory_space<vmem>> -> memref<128x32xf32, #tpu.memory_space<vmem>>
      %dma_start3A_69 = arith.constant 0 : i32
      %dma_start3A_70 = tpu.memref_slice %arg5[%add3A_60, %dma_start3A_63, %dma_start3A_69] : memref<116x4x128xi32, #tpu.memory_space<vmem>> -> memref<1x1x128xi32, #tpu.memory_space<vmem>>
      %dma_start3A_71 = tpu.memref_squeeze %dma_start3A_70 : memref<1x1x128xi32, #tpu.memory_space<vmem>> -> memref<128xi32, #tpu.memory_space<vmem>>
      %dma_start3A_72 = arith.constant 0 : i32
      %dma_start3A_73 = arith.constant 0 : i32
      %dma_start3A_74 = tpu.memref_slice %arg2[%dma_start3A_72, %dma_start3A_73] : memref<1161856x32xf32, #tpu.memory_space<hbm>> -> memref<1161856x32xf32, #tpu.memory_space<hbm>>
      tpu.enqueue_indirect_dma source(%dma_start3A_74 : memref<1161856x32xf32, #tpu.memory_space<hbm>>) target(%dma_start3A_68 : memref<128x32xf32, #tpu.memory_space<vmem>>) offsets(%dma_start3A_71 : memref<128xi32, #tpu.memory_space<vmem>>) semaphore(%arg8 : memref<!tpu.dma_semaphore, #tpu.memory_space<semaphore_mem>>)
      %dma_start3A_75 = arith.constant 1 : i32
      %dma_start3A_76 = arith.constant 0 : i32
      %dma_start3A_77 = arith.constant 128 : i32
      %dma_start3A_78 = arith.constant 0 : i32
      %dma_start3A_79 = tpu.memref_slice %arg6[%dma_start3A_76, %dma_start3A_77, %dma_start3A_78] : memref<2x512x32xf32, #tpu.memory_space<vmem>> -> memref<1x128x32xf32, #tpu.memory_space<vmem>>
      %dma_start3A_80 = tpu.memref_squeeze %dma_start3A_79 : memref<1x128x32xf32, #tpu.memory_space<vmem>> -> memref<128x32xf32, #tpu.memory_space<vmem>>
      %dma_start3A_81 = arith.constant 0 : i32
      %dma_start3A_82 = tpu.memref_slice %arg5[%add3A_60, %dma_start3A_75, %dma_start3A_81] : memref<116x4x128xi32, #tpu.memory_space<vmem>> -> memref<1x1x128xi32, #tpu.memory_space<vmem>>
      %dma_start3A_83 = tpu.memref_squeeze %dma_start3A_82 : memref<1x1x128xi32, #tpu.memory_space<vmem>> -> memref<128xi32, #tpu.memory_space<vmem>>
      %dma_start3A_84 = arith.constant 0 : i32
      %dma_start3A_85 = arith.constant 0 : i32
      %dma_start3A_86 = tpu.memref_slice %arg2[%dma_start3A_84, %dma_start3A_85] : memref<1161856x32xf32, #tpu.memory_space<hbm>> -> memref<1161856x32xf32, #tpu.memory_space<hbm>>
      tpu.enqueue_indirect_dma source(%dma_start3A_86 : memref<1161856x32xf32, #tpu.memory_space<hbm>>) target(%dma_start3A_80 : memref<128x32xf32, #tpu.memory_space<vmem>>) offsets(%dma_start3A_83 : memref<128xi32, #tpu.memory_space<vmem>>) semaphore(%arg8 : memref<!tpu.dma_semaphore, #tpu.memory_space<semaphore_mem>>)
      %dma_start3A_87 = arith.constant 2 : i32
      %dma_start3A_88 = arith.constant 0 : i32
      %dma_start3A_89 = arith.constant 256 : i32
      %dma_start3A_90 = arith.constant 0 : i32
      %dma_start3A_91 = tpu.memref_slice %arg6[%dma_start3A_88, %dma_start3A_89, %dma_start3A_90] : memref<2x512x32xf32, #tpu.memory_space<vmem>> -> memref<1x128x32xf32, #tpu.memory_space<vmem>>
      %dma_start3A_92 = tpu.memref_squeeze %dma_start3A_91 : memref<1x128x32xf32, #tpu.memory_space<vmem>> -> memref<128x32xf32, #tpu.memory_space<vmem>>
      %dma_start3A_93 = arith.constant 0 : i32
      %dma_start3A_94 = tpu.memref_slice %arg5[%add3A_60, %dma_start3A_87, %dma_start3A_93] : memref<116x4x128xi32, #tpu.memory_space<vmem>> -> memref<1x1x128xi32, #tpu.memory_space<vmem>>
      %dma_start3A_95 = tpu.memref_squeeze %dma_start3A_94 : memref<1x1x128xi32, #tpu.memory_space<vmem>> -> memref<128xi32, #tpu.memory_space<vmem>>
      %dma_start3A_96 = arith.constant 0 : i32
      %dma_start3A_97 = arith.constant 0 : i32
      %dma_start3A_98 = tpu.memref_slice %arg2[%dma_start3A_96, %dma_start3A_97] : memref<1161856x32xf32, #tpu.memory_space<hbm>> -> memref<1161856x32xf32, #tpu.memory_space<hbm>>
      tpu.enqueue_indirect_dma source(%dma_start3A_98 : memref<1161856x32xf32, #tpu.memory_space<hbm>>) target(%dma_start3A_92 : memref<128x32xf32, #tpu.memory_space<vmem>>) offsets(%dma_start3A_95 : memref<128xi32, #tpu.memory_space<vmem>>) semaphore(%arg8 : memref<!tpu.dma_semaphore, #tpu.memory_space<semaphore_mem>>)
      %dma_start3A_99 = arith.constant 3 : i32
      %dma_start3A_100 = arith.constant 0 : i32
      %dma_start3A_101 = arith.constant 384 : i32
      %dma_start3A_102 = arith.constant 0 : i32
      %dma_start3A_103 = tpu.memref_slice %arg6[%dma_start3A_100, %dma_start3A_101, %dma_start3A_102] : memref<2x512x32xf32, #tpu.memory_space<vmem>> -> memref<1x128x32xf32, #tpu.memory_space<vmem>>
      %dma_start3A_104 = tpu.memref_squeeze %dma_start3A_103 : memref<1x128x32xf32, #tpu.memory_space<vmem>> -> memref<128x32xf32, #tpu.memory_space<vmem>>
      %dma_start3A_105 = arith.constant 0 : i32
      %dma_start3A_106 = tpu.memref_slice %arg5[%add3A_60, %dma_start3A_99, %dma_start3A_105] : memref<116x4x128xi32, #tpu.memory_space<vmem>> -> memref<1x1x128xi32, #tpu.memory_space<vmem>>
      %dma_start3A_107 = tpu.memref_squeeze %dma_start3A_106 : memref<1x1x128xi32, #tpu.memory_space<vmem>> -> memref<128xi32, #tpu.memory_space<vmem>>
      %dma_start3A_108 = arith.constant 0 : i32
      %dma_start3A_109 = arith.constant 0 : i32
      %dma_start3A_110 = tpu.memref_slice %arg2[%dma_start3A_108, %dma_start3A_109] : memref<1161856x32xf32, #tpu.memory_space<hbm>> -> memref<1161856x32xf32, #tpu.memory_space<hbm>>
      tpu.enqueue_indirect_dma source(%dma_start3A_110 : memref<1161856x32xf32, #tpu.memory_space<hbm>>) target(%dma_start3A_104 : memref<128x32xf32, #tpu.memory_space<vmem>>) offsets(%dma_start3A_107 : memref<128xi32, #tpu.memory_space<vmem>>) semaphore(%arg8 : memref<!tpu.dma_semaphore, #tpu.memory_space<semaphore_mem>>)
      %mul3A_111 = arith.constant 2 : i32
      %mul3A_112 = arith.muli %mul3A_111, %scan3A_56 : i32
      %add3A_113 = arith.constant 1 : i32
      %add3A_114 = arith.addi %mul3A_112, %add3A_113 : i32
      %ge3A_115 = arith.constant 1 : i32
      %ge3A_116 = arith.cmpi sge, %scan3A_56, %ge3A_115 : i32
      %convert_element_type3A_117 = arith.extui %ge3A_116 : i1 to i32
      %cond3A_118 = arith.constant 0 : i32
      %cond3A_119 = arith.cmpi ne, %convert_element_type3A_117, %cond3A_118 : i32
      scf.if %cond3A_119 {
        %dma_wait3A_308 = arith.constant 1 : i32
        %dma_wait3A_309 = arith.constant 0 : i32
        %dma_wait3A_310 = arith.constant 0 : i32
        %dma_wait3A_311 = arith.constant 0 : i32
        %dma_wait3A_312 = tpu.memref_slice %arg6[%dma_wait3A_308, %dma_wait3A_310, %dma_wait3A_311] : memref<2x512x32xf32, #tpu.memory_space<vmem>> -> memref<1x512x32xf32, #tpu.memory_space<vmem>>
        %dma_wait3A_313 = tpu.memref_squeeze %dma_wait3A_312 : memref<1x512x32xf32, #tpu.memory_space<vmem>> -> memref<512x32xf32, #tpu.memory_space<vmem>>
        %dma_wait3A_314 = arith.constant 0 : i32
        %dma_wait3A_315 = arith.constant 0 : i32
        %dma_wait3A_316 = tpu.memref_slice %arg4[%dma_wait3A_309, %dma_wait3A_314, %dma_wait3A_315] : memref<29x16384x128xf32, #tpu.memory_space<hbm>> -> memref<1x512x32xf32, #tpu.memory_space<hbm>>
        %dma_wait3A_317 = tpu.memref_squeeze %dma_wait3A_316 : memref<1x512x32xf32, #tpu.memory_space<hbm>> -> memref<512x32xf32, #tpu.memory_space<hbm>>
        %dma_wait3A_318 = arith.constant 0 : i32
        %dma_wait3A_319 = arith.constant 0 : i32
        %dma_wait3A_320 = tpu.memref_slice %arg4[%dma_wait3A_309, %dma_wait3A_318, %dma_wait3A_319] : memref<29x16384x128xf32, #tpu.memory_space<hbm>> -> memref<1x512x32xf32, #tpu.memory_space<hbm>>
        %dma_wait3A_321 = tpu.memref_squeeze %dma_wait3A_320 : memref<1x512x32xf32, #tpu.memory_space<hbm>> -> memref<512x32xf32, #tpu.memory_space<hbm>>
        %dma_wait3A_322 = arith.constant 0 : i32
        %dma_wait3A_323 = arith.constant 0 : i32
        %dma_wait3A_324 = tpu.memref_slice %arg6[%dma_wait3A_308, %dma_wait3A_322, %dma_wait3A_323] : memref<2x512x32xf32, #tpu.memory_space<vmem>> -> memref<1x512x32xf32, #tpu.memory_space<vmem>>
        %dma_wait3A_325 = tpu.memref_squeeze %dma_wait3A_324 : memref<1x512x32xf32, #tpu.memory_space<vmem>> -> memref<512x32xf32, #tpu.memory_space<vmem>>
        tpu.wait_dma2 semaphore(%arg11 : memref<!tpu.dma_semaphore, #tpu.memory_space<semaphore_mem>>) src(%dma_wait3A_325 : memref<512x32xf32, #tpu.memory_space<vmem>>) dst(%dma_wait3A_321 : memref<512x32xf32, #tpu.memory_space<hbm>>)
      } else {
      }
      %dma_start3A_120 = arith.constant 0 : i32
      %dma_start3A_121 = arith.constant 1 : i32
      %dma_start3A_122 = arith.constant 0 : i32
      %dma_start3A_123 = arith.constant 0 : i32
      %dma_start3A_124 = tpu.memref_slice %arg6[%dma_start3A_121, %dma_start3A_122, %dma_start3A_123] : memref<2x512x32xf32, #tpu.memory_space<vmem>> -> memref<1x128x32xf32, #tpu.memory_space<vmem>>
      %dma_start3A_125 = tpu.memref_squeeze %dma_start3A_124 : memref<1x128x32xf32, #tpu.memory_space<vmem>> -> memref<128x32xf32, #tpu.memory_space<vmem>>
      %dma_start3A_126 = arith.constant 0 : i32
      %dma_start3A_127 = tpu.memref_slice %arg5[%add3A_114, %dma_start3A_120, %dma_start3A_126] : memref<116x4x128xi32, #tpu.memory_space<vmem>> -> memref<1x1x128xi32, #tpu.memory_space<vmem>>
      %dma_start3A_128 = tpu.memref_squeeze %dma_start3A_127 : memref<1x1x128xi32, #tpu.memory_space<vmem>> -> memref<128xi32, #tpu.memory_space<vmem>>
      %dma_start3A_129 = arith.constant 0 : i32
      %dma_start3A_130 = arith.constant 0 : i32
      %dma_start3A_131 = tpu.memref_slice %arg2[%dma_start3A_129, %dma_start3A_130] : memref<1161856x32xf32, #tpu.memory_space<hbm>> -> memref<1161856x32xf32, #tpu.memory_space<hbm>>
      tpu.enqueue_indirect_dma source(%dma_start3A_131 : memref<1161856x32xf32, #tpu.memory_space<hbm>>) target(%dma_start3A_125 : memref<128x32xf32, #tpu.memory_space<vmem>>) offsets(%dma_start3A_128 : memref<128xi32, #tpu.memory_space<vmem>>) semaphore(%arg9 : memref<!tpu.dma_semaphore, #tpu.memory_space<semaphore_mem>>)
      %dma_start3A_132 = arith.constant 1 : i32
      %dma_start3A_133 = arith.constant 1 : i32
      %dma_start3A_134 = arith.constant 128 : i32
      %dma_start3A_135 = arith.constant 0 : i32
      %dma_start3A_136 = tpu.memref_slice %arg6[%dma_start3A_133, %dma_start3A_134, %dma_start3A_135] : memref<2x512x32xf32, #tpu.memory_space<vmem>> -> memref<1x128x32xf32, #tpu.memory_space<vmem>>
      %dma_start3A_137 = tpu.memref_squeeze %dma_start3A_136 : memref<1x128x32xf32, #tpu.memory_space<vmem>> -> memref<128x32xf32, #tpu.memory_space<vmem>>
      %dma_start3A_138 = arith.constant 0 : i32
      %dma_start3A_139 = tpu.memref_slice %arg5[%add3A_114, %dma_start3A_132, %dma_start3A_138] : memref<116x4x128xi32, #tpu.memory_space<vmem>> -> memref<1x1x128xi32, #tpu.memory_space<vmem>>
      %dma_start3A_140 = tpu.memref_squeeze %dma_start3A_139 : memref<1x1x128xi32, #tpu.memory_space<vmem>> -> memref<128xi32, #tpu.memory_space<vmem>>
      %dma_start3A_141 = arith.constant 0 : i32
      %dma_start3A_142 = arith.constant 0 : i32
      %dma_start3A_143 = tpu.memref_slice %arg2[%dma_start3A_141, %dma_start3A_142] : memref<1161856x32xf32, #tpu.memory_space<hbm>> -> memref<1161856x32xf32, #tpu.memory_space<hbm>>
      tpu.enqueue_indirect_dma source(%dma_start3A_143 : memref<1161856x32xf32, #tpu.memory_space<hbm>>) target(%dma_start3A_137 : memref<128x32xf32, #tpu.memory_space<vmem>>) offsets(%dma_start3A_140 : memref<128xi32, #tpu.memory_space<vmem>>) semaphore(%arg9 : memref<!tpu.dma_semaphore, #tpu.memory_space<semaphore_mem>>)
      %dma_start3A_144 = arith.constant 2 : i32
      %dma_start3A_145 = arith.constant 1 : i32
      %dma_start3A_146 = arith.constant 256 : i32
      %dma_start3A_147 = arith.constant 0 : i32
      %dma_start3A_148 = tpu.memref_slice %arg6[%dma_start3A_145, %dma_start3A_146, %dma_start3A_147] : memref<2x512x32xf32, #tpu.memory_space<vmem>> -> memref<1x128x32xf32, #tpu.memory_space<vmem>>
      %dma_start3A_149 = tpu.memref_squeeze %dma_start3A_148 : memref<1x128x32xf32, #tpu.memory_space<vmem>> -> memref<128x32xf32, #tpu.memory_space<vmem>>
      %dma_start3A_150 = arith.constant 0 : i32
      %dma_start3A_151 = tpu.memref_slice %arg5[%add3A_114, %dma_start3A_144, %dma_start3A_150] : memref<116x4x128xi32, #tpu.memory_space<vmem>> -> memref<1x1x128xi32, #tpu.memory_space<vmem>>
      %dma_start3A_152 = tpu.memref_squeeze %dma_start3A_151 : memref<1x1x128xi32, #tpu.memory_space<vmem>> -> memref<128xi32, #tpu.memory_space<vmem>>
      %dma_start3A_153 = arith.constant 0 : i32
      %dma_start3A_154 = arith.constant 0 : i32
      %dma_start3A_155 = tpu.memref_slice %arg2[%dma_start3A_153, %dma_start3A_154] : memref<1161856x32xf32, #tpu.memory_space<hbm>> -> memref<1161856x32xf32, #tpu.memory_space<hbm>>
      tpu.enqueue_indirect_dma source(%dma_start3A_155 : memref<1161856x32xf32, #tpu.memory_space<hbm>>) target(%dma_start3A_149 : memref<128x32xf32, #tpu.memory_space<vmem>>) offsets(%dma_start3A_152 : memref<128xi32, #tpu.memory_space<vmem>>) semaphore(%arg9 : memref<!tpu.dma_semaphore, #tpu.memory_space<semaphore_mem>>)
      %dma_start3A_156 = arith.constant 3 : i32
      %dma_start3A_157 = arith.constant 1 : i32
      %dma_start3A_158 = arith.constant 384 : i32
      %dma_start3A_159 = arith.constant 0 : i32
      %dma_start3A_160 = tpu.memref_slice %arg6[%dma_start3A_157, %dma_start3A_158, %dma_start3A_159] : memref<2x512x32xf32, #tpu.memory_space<vmem>> -> memref<1x128x32xf32, #tpu.memory_space<vmem>>
      %dma_start3A_161 = tpu.memref_squeeze %dma_start3A_160 : memref<1x128x32xf32, #tpu.memory_space<vmem>> -> memref<128x32xf32, #tpu.memory_space<vmem>>
      %dma_start3A_162 = arith.constant 0 : i32
      %dma_start3A_163 = tpu.memref_slice %arg5[%add3A_114, %dma_start3A_156, %dma_start3A_162] : memref<116x4x128xi32, #tpu.memory_space<vmem>> -> memref<1x1x128xi32, #tpu.memory_space<vmem>>
      %dma_start3A_164 = tpu.memref_squeeze %dma_start3A_163 : memref<1x1x128xi32, #tpu.memory_space<vmem>> -> memref<128xi32, #tpu.memory_space<vmem>>
      %dma_start3A_165 = arith.constant 0 : i32
      %dma_start3A_166 = arith.constant 0 : i32
      %dma_start3A_167 = tpu.memref_slice %arg2[%dma_start3A_165, %dma_start3A_166] : memref<1161856x32xf32, #tpu.memory_space<hbm>> -> memref<1161856x32xf32, #tpu.memory_space<hbm>>
      tpu.enqueue_indirect_dma source(%dma_start3A_167 : memref<1161856x32xf32, #tpu.memory_space<hbm>>) target(%dma_start3A_161 : memref<128x32xf32, #tpu.memory_space<vmem>>) offsets(%dma_start3A_164 : memref<128xi32, #tpu.memory_space<vmem>>) semaphore(%arg9 : memref<!tpu.dma_semaphore, #tpu.memory_space<semaphore_mem>>)
      %mul3A_168 = arith.constant 2 : i32
      %mul3A_169 = arith.muli %mul3A_168, %scan3A_56 : i32
      %add3A_170 = arith.constant 0 : i32
      %add3A_171 = arith.addi %mul3A_169, %add3A_170 : i32
      %dma_wait3A_172 = arith.constant 0 : i32
      %dma_wait3A_173 = arith.constant 0 : i32
      %dma_wait3A_174 = arith.constant 0 : i32
      %dma_wait3A_175 = arith.constant 0 : i32
      %dma_wait3A_176 = tpu.memref_slice %arg6[%dma_wait3A_173, %dma_wait3A_174, %dma_wait3A_175] : memref<2x512x32xf32, #tpu.memory_space<vmem>> -> memref<1x128x32xf32, #tpu.memory_space<vmem>>
      %dma_wait3A_177 = tpu.memref_squeeze %dma_wait3A_176 : memref<1x128x32xf32, #tpu.memory_space<vmem>> -> memref<128x32xf32, #tpu.memory_space<vmem>>
      %dma_wait3A_178 = arith.constant 0 : i32
      %dma_wait3A_179 = tpu.memref_slice %arg5[%add3A_60, %dma_wait3A_172, %dma_wait3A_178] : memref<116x4x128xi32, #tpu.memory_space<vmem>> -> memref<1x1x128xi32, #tpu.memory_space<vmem>>
      %dma_wait3A_180 = tpu.memref_squeeze %dma_wait3A_179 : memref<1x1x128xi32, #tpu.memory_space<vmem>> -> memref<128xi32, #tpu.memory_space<vmem>>
      %dma_wait3A_181 = arith.constant 0 : i32
      %dma_wait3A_182 = arith.constant 0 : i32
      %dma_wait3A_183 = tpu.memref_slice %arg2[%dma_wait3A_181, %dma_wait3A_182] : memref<1161856x32xf32, #tpu.memory_space<hbm>> -> memref<1161856x32xf32, #tpu.memory_space<hbm>>
      tpu.wait_indirect_dma semaphore(%arg8 : memref<!tpu.dma_semaphore, #tpu.memory_space<semaphore_mem>>) src(%dma_wait3A_183 : memref<1161856x32xf32, #tpu.memory_space<hbm>>) dst(%dma_wait3A_177 : memref<128x32xf32, #tpu.memory_space<vmem>>)
      %dma_wait3A_184 = arith.constant 1 : i32
      %dma_wait3A_185 = arith.constant 0 : i32
      %dma_wait3A_186 = arith.constant 128 : i32
      %dma_wait3A_187 = arith.constant 0 : i32
      %dma_wait3A_188 = tpu.memref_slice %arg6[%dma_wait3A_185, %dma_wait3A_186, %dma_wait3A_187] : memref<2x512x32xf32, #tpu.memory_space<vmem>> -> memref<1x128x32xf32, #tpu.memory_space<vmem>>
      %dma_wait3A_189 = tpu.memref_squeeze %dma_wait3A_188 : memref<1x128x32xf32, #tpu.memory_space<vmem>> -> memref<128x32xf32, #tpu.memory_space<vmem>>
      %dma_wait3A_190 = arith.constant 0 : i32
      %dma_wait3A_191 = tpu.memref_slice %arg5[%add3A_60, %dma_wait3A_184, %dma_wait3A_190] : memref<116x4x128xi32, #tpu.memory_space<vmem>> -> memref<1x1x128xi32, #tpu.memory_space<vmem>>
      %dma_wait3A_192 = tpu.memref_squeeze %dma_wait3A_191 : memref<1x1x128xi32, #tpu.memory_space<vmem>> -> memref<128xi32, #tpu.memory_space<vmem>>
      %dma_wait3A_193 = arith.constant 0 : i32
      %dma_wait3A_194 = arith.constant 0 : i32
      %dma_wait3A_195 = tpu.memref_slice %arg2[%dma_wait3A_193, %dma_wait3A_194] : memref<1161856x32xf32, #tpu.memory_space<hbm>> -> memref<1161856x32xf32, #tpu.memory_space<hbm>>
      tpu.wait_indirect_dma semaphore(%arg8 : memref<!tpu.dma_semaphore, #tpu.memory_space<semaphore_mem>>) src(%dma_wait3A_195 : memref<1161856x32xf32, #tpu.memory_space<hbm>>) dst(%dma_wait3A_189 : memref<128x32xf32, #tpu.memory_space<vmem>>)
      %dma_wait3A_196 = arith.constant 2 : i32
      %dma_wait3A_197 = arith.constant 0 : i32
      %dma_wait3A_198 = arith.constant 256 : i32
      %dma_wait3A_199 = arith.constant 0 : i32
      %dma_wait3A_200 = tpu.memref_slice %arg6[%dma_wait3A_197, %dma_wait3A_198, %dma_wait3A_199] : memref<2x512x32xf32, #tpu.memory_space<vmem>> -> memref<1x128x32xf32, #tpu.memory_space<vmem>>
      %dma_wait3A_201 = tpu.memref_squeeze %dma_wait3A_200 : memref<1x128x32xf32, #tpu.memory_space<vmem>> -> memref<128x32xf32, #tpu.memory_space<vmem>>
      %dma_wait3A_202 = arith.constant 0 : i32
      %dma_wait3A_203 = tpu.memref_slice %arg5[%add3A_60, %dma_wait3A_196, %dma_wait3A_202] : memref<116x4x128xi32, #tpu.memory_space<vmem>> -> memref<1x1x128xi32, #tpu.memory_space<vmem>>
      %dma_wait3A_204 = tpu.memref_squeeze %dma_wait3A_203 : memref<1x1x128xi32, #tpu.memory_space<vmem>> -> memref<128xi32, #tpu.memory_space<vmem>>
      %dma_wait3A_205 = arith.constant 0 : i32
      %dma_wait3A_206 = arith.constant 0 : i32
      %dma_wait3A_207 = tpu.memref_slice %arg2[%dma_wait3A_205, %dma_wait3A_206] : memref<1161856x32xf32, #tpu.memory_space<hbm>> -> memref<1161856x32xf32, #tpu.memory_space<hbm>>
      tpu.wait_indirect_dma semaphore(%arg8 : memref<!tpu.dma_semaphore, #tpu.memory_space<semaphore_mem>>) src(%dma_wait3A_207 : memref<1161856x32xf32, #tpu.memory_space<hbm>>) dst(%dma_wait3A_201 : memref<128x32xf32, #tpu.memory_space<vmem>>)
      %dma_wait3A_208 = arith.constant 3 : i32
      %dma_wait3A_209 = arith.constant 0 : i32
      %dma_wait3A_210 = arith.constant 384 : i32
      %dma_wait3A_211 = arith.constant 0 : i32
      %dma_wait3A_212 = tpu.memref_slice %arg6[%dma_wait3A_209, %dma_wait3A_210, %dma_wait3A_211] : memref<2x512x32xf32, #tpu.memory_space<vmem>> -> memref<1x128x32xf32, #tpu.memory_space<vmem>>
      %dma_wait3A_213 = tpu.memref_squeeze %dma_wait3A_212 : memref<1x128x32xf32, #tpu.memory_space<vmem>> -> memref<128x32xf32, #tpu.memory_space<vmem>>
      %dma_wait3A_214 = arith.constant 0 : i32
      %dma_wait3A_215 = tpu.memref_slice %arg5[%add3A_60, %dma_wait3A_208, %dma_wait3A_214] : memref<116x4x128xi32, #tpu.memory_space<vmem>> -> memref<1x1x128xi32, #tpu.memory_space<vmem>>
      %dma_wait3A_216 = tpu.memref_squeeze %dma_wait3A_215 : memref<1x1x128xi32, #tpu.memory_space<vmem>> -> memref<128xi32, #tpu.memory_space<vmem>>
      %dma_wait3A_217 = arith.constant 0 : i32
      %dma_wait3A_218 = arith.constant 0 : i32
      %dma_wait3A_219 = tpu.memref_slice %arg2[%dma_wait3A_217, %dma_wait3A_218] : memref<1161856x32xf32, #tpu.memory_space<hbm>> -> memref<1161856x32xf32, #tpu.memory_space<hbm>>
      tpu.wait_indirect_dma semaphore(%arg8 : memref<!tpu.dma_semaphore, #tpu.memory_space<semaphore_mem>>) src(%dma_wait3A_219 : memref<1161856x32xf32, #tpu.memory_space<hbm>>) dst(%dma_wait3A_213 : memref<128x32xf32, #tpu.memory_space<vmem>>)
      %div3A = arith.constant 4 : i32
      %div3A_220 = arith.divsi %add3A_171, %div3A : i32
      %rem3A = arith.constant 4 : i32
      %rem3A_221 = arith.remsi %add3A_171, %rem3A : i32
      %mul3A_222 = arith.constant 32 : i32
      %mul3A_223 = arith.muli %rem3A_221, %mul3A_222 : i32
      %dma_start3A_224 = arith.constant 0 : i32
      %dma_start3A_225 = arith.constant 0 : i32
      %dma_start3A_226 = arith.constant 0 : i32
      %dma_start3A_227 = tpu.memref_slice %arg6[%dma_start3A_224, %dma_start3A_225, %dma_start3A_226] : memref<2x512x32xf32, #tpu.memory_space<vmem>> -> memref<1x512x32xf32, #tpu.memory_space<vmem>>
      %dma_start3A_228 = tpu.memref_squeeze %dma_start3A_227 : memref<1x512x32xf32, #tpu.memory_space<vmem>> -> memref<512x32xf32, #tpu.memory_space<vmem>>
      %dma_start3A_229 = tpu.memref_slice %arg4[%div3A_220, %mul3A_2, %mul3A_223] : memref<29x16384x128xf32, #tpu.memory_space<hbm>> -> memref<1x512x32xf32, #tpu.memory_space<hbm>>
      %dma_start3A_230 = tpu.memref_squeeze %dma_start3A_229 : memref<1x512x32xf32, #tpu.memory_space<hbm>> -> memref<512x32xf32, #tpu.memory_space<hbm>>
      %dma_start3A_231 = tpu.memref_slice %arg4[%div3A_220, %mul3A_2, %mul3A_223] : memref<29x16384x128xf32, #tpu.memory_space<hbm>> -> memref<1x512x32xf32, #tpu.memory_space<hbm>>
      %dma_start3A_232 = tpu.memref_squeeze %dma_start3A_231 : memref<1x512x32xf32, #tpu.memory_space<hbm>> -> memref<512x32xf32, #tpu.memory_space<hbm>>
      %dma_start3A_233 = arith.constant 0 : i32
      %dma_start3A_234 = arith.constant 0 : i32
      %dma_start3A_235 = tpu.memref_slice %arg6[%dma_start3A_224, %dma_start3A_233, %dma_start3A_234] : memref<2x512x32xf32, #tpu.memory_space<vmem>> -> memref<1x512x32xf32, #tpu.memory_space<vmem>>
      %dma_start3A_236 = tpu.memref_squeeze %dma_start3A_235 : memref<1x512x32xf32, #tpu.memory_space<vmem>> -> memref<512x32xf32, #tpu.memory_space<vmem>>
      tpu.enqueue_dma source(%dma_start3A_236 : memref<512x32xf32, #tpu.memory_space<vmem>>) target(%dma_start3A_232 : memref<512x32xf32, #tpu.memory_space<hbm>>) target_semaphore(%arg10 : memref<!tpu.dma_semaphore, #tpu.memory_space<semaphore_mem>>)
      %mul3A_237 = arith.constant 2 : i32
      %mul3A_238 = arith.muli %mul3A_237, %scan3A_56 : i32
      %add3A_239 = arith.constant 1 : i32
      %add3A_240 = arith.addi %mul3A_238, %add3A_239 : i32
      %dma_wait3A_241 = arith.constant 0 : i32
      %dma_wait3A_242 = arith.constant 1 : i32
      %dma_wait3A_243 = arith.constant 0 : i32
      %dma_wait3A_244 = arith.constant 0 : i32
      %dma_wait3A_245 = tpu.memref_slice %arg6[%dma_wait3A_242, %dma_wait3A_243, %dma_wait3A_244] : memref<2x512x32xf32, #tpu.memory_space<vmem>> -> memref<1x128x32xf32, #tpu.memory_space<vmem>>
      %dma_wait3A_246 = tpu.memref_squeeze %dma_wait3A_245 : memref<1x128x32xf32, #tpu.memory_space<vmem>> -> memref<128x32xf32, #tpu.memory_space<vmem>>
      %dma_wait3A_247 = arith.constant 0 : i32
      %dma_wait3A_248 = tpu.memref_slice %arg5[%add3A_114, %dma_wait3A_241, %dma_wait3A_247] : memref<116x4x128xi32, #tpu.memory_space<vmem>> -> memref<1x1x128xi32, #tpu.memory_space<vmem>>
      %dma_wait3A_249 = tpu.memref_squeeze %dma_wait3A_248 : memref<1x1x128xi32, #tpu.memory_space<vmem>> -> memref<128xi32, #tpu.memory_space<vmem>>
      %dma_wait3A_250 = arith.constant 0 : i32
      %dma_wait3A_251 = arith.constant 0 : i32
      %dma_wait3A_252 = tpu.memref_slice %arg2[%dma_wait3A_250, %dma_wait3A_251] : memref<1161856x32xf32, #tpu.memory_space<hbm>> -> memref<1161856x32xf32, #tpu.memory_space<hbm>>
      tpu.wait_indirect_dma semaphore(%arg9 : memref<!tpu.dma_semaphore, #tpu.memory_space<semaphore_mem>>) src(%dma_wait3A_252 : memref<1161856x32xf32, #tpu.memory_space<hbm>>) dst(%dma_wait3A_246 : memref<128x32xf32, #tpu.memory_space<vmem>>)
      %dma_wait3A_253 = arith.constant 1 : i32
      %dma_wait3A_254 = arith.constant 1 : i32
      %dma_wait3A_255 = arith.constant 128 : i32
      %dma_wait3A_256 = arith.constant 0 : i32
      %dma_wait3A_257 = tpu.memref_slice %arg6[%dma_wait3A_254, %dma_wait3A_255, %dma_wait3A_256] : memref<2x512x32xf32, #tpu.memory_space<vmem>> -> memref<1x128x32xf32, #tpu.memory_space<vmem>>
      %dma_wait3A_258 = tpu.memref_squeeze %dma_wait3A_257 : memref<1x128x32xf32, #tpu.memory_space<vmem>> -> memref<128x32xf32, #tpu.memory_space<vmem>>
      %dma_wait3A_259 = arith.constant 0 : i32
      %dma_wait3A_260 = tpu.memref_slice %arg5[%add3A_114, %dma_wait3A_253, %dma_wait3A_259] : memref<116x4x128xi32, #tpu.memory_space<vmem>> -> memref<1x1x128xi32, #tpu.memory_space<vmem>>
      %dma_wait3A_261 = tpu.memref_squeeze %dma_wait3A_260 : memref<1x1x128xi32, #tpu.memory_space<vmem>> -> memref<128xi32, #tpu.memory_space<vmem>>
      %dma_wait3A_262 = arith.constant 0 : i32
      %dma_wait3A_263 = arith.constant 0 : i32
      %dma_wait3A_264 = tpu.memref_slice %arg2[%dma_wait3A_262, %dma_wait3A_263] : memref<1161856x32xf32, #tpu.memory_space<hbm>> -> memref<1161856x32xf32, #tpu.memory_space<hbm>>
      tpu.wait_indirect_dma semaphore(%arg9 : memref<!tpu.dma_semaphore, #tpu.memory_space<semaphore_mem>>) src(%dma_wait3A_264 : memref<1161856x32xf32, #tpu.memory_space<hbm>>) dst(%dma_wait3A_258 : memref<128x32xf32, #tpu.memory_space<vmem>>)
      %dma_wait3A_265 = arith.constant 2 : i32
      %dma_wait3A_266 = arith.constant 1 : i32
      %dma_wait3A_267 = arith.constant 256 : i32
      %dma_wait3A_268 = arith.constant 0 : i32
      %dma_wait3A_269 = tpu.memref_slice %arg6[%dma_wait3A_266, %dma_wait3A_267, %dma_wait3A_268] : memref<2x512x32xf32, #tpu.memory_space<vmem>> -> memref<1x128x32xf32, #tpu.memory_space<vmem>>
      %dma_wait3A_270 = tpu.memref_squeeze %dma_wait3A_269 : memref<1x128x32xf32, #tpu.memory_space<vmem>> -> memref<128x32xf32, #tpu.memory_space<vmem>>
      %dma_wait3A_271 = arith.constant 0 : i32
      %dma_wait3A_272 = tpu.memref_slice %arg5[%add3A_114, %dma_wait3A_265, %dma_wait3A_271] : memref<116x4x128xi32, #tpu.memory_space<vmem>> -> memref<1x1x128xi32, #tpu.memory_space<vmem>>
      %dma_wait3A_273 = tpu.memref_squeeze %dma_wait3A_272 : memref<1x1x128xi32, #tpu.memory_space<vmem>> -> memref<128xi32, #tpu.memory_space<vmem>>
      %dma_wait3A_274 = arith.constant 0 : i32
      %dma_wait3A_275 = arith.constant 0 : i32
      %dma_wait3A_276 = tpu.memref_slice %arg2[%dma_wait3A_274, %dma_wait3A_275] : memref<1161856x32xf32, #tpu.memory_space<hbm>> -> memref<1161856x32xf32, #tpu.memory_space<hbm>>
      tpu.wait_indirect_dma semaphore(%arg9 : memref<!tpu.dma_semaphore, #tpu.memory_space<semaphore_mem>>) src(%dma_wait3A_276 : memref<1161856x32xf32, #tpu.memory_space<hbm>>) dst(%dma_wait3A_270 : memref<128x32xf32, #tpu.memory_space<vmem>>)
      %dma_wait3A_277 = arith.constant 3 : i32
      %dma_wait3A_278 = arith.constant 1 : i32
      %dma_wait3A_279 = arith.constant 384 : i32
      %dma_wait3A_280 = arith.constant 0 : i32
      %dma_wait3A_281 = tpu.memref_slice %arg6[%dma_wait3A_278, %dma_wait3A_279, %dma_wait3A_280] : memref<2x512x32xf32, #tpu.memory_space<vmem>> -> memref<1x128x32xf32, #tpu.memory_space<vmem>>
      %dma_wait3A_282 = tpu.memref_squeeze %dma_wait3A_281 : memref<1x128x32xf32, #tpu.memory_space<vmem>> -> memref<128x32xf32, #tpu.memory_space<vmem>>
      %dma_wait3A_283 = arith.constant 0 : i32
      %dma_wait3A_284 = tpu.memref_slice %arg5[%add3A_114, %dma_wait3A_277, %dma_wait3A_283] : memref<116x4x128xi32, #tpu.memory_space<vmem>> -> memref<1x1x128xi32, #tpu.memory_space<vmem>>
      %dma_wait3A_285 = tpu.memref_squeeze %dma_wait3A_284 : memref<1x1x128xi32, #tpu.memory_space<vmem>> -> memref<128xi32, #tpu.memory_space<vmem>>
      %dma_wait3A_286 = arith.constant 0 : i32
      %dma_wait3A_287 = arith.constant 0 : i32
      %dma_wait3A_288 = tpu.memref_slice %arg2[%dma_wait3A_286, %dma_wait3A_287] : memref<1161856x32xf32, #tpu.memory_space<hbm>> -> memref<1161856x32xf32, #tpu.memory_space<hbm>>
      tpu.wait_indirect_dma semaphore(%arg9 : memref<!tpu.dma_semaphore, #tpu.memory_space<semaphore_mem>>) src(%dma_wait3A_288 : memref<1161856x32xf32, #tpu.memory_space<hbm>>) dst(%dma_wait3A_282 : memref<128x32xf32, #tpu.memory_space<vmem>>)
      %div3A_289 = arith.constant 4 : i32
      %div3A_290 = arith.divsi %add3A_240, %div3A_289 : i32
      %rem3A_291 = arith.constant 4 : i32
      %rem3A_292 = arith.remsi %add3A_240, %rem3A_291 : i32
      %mul3A_293 = arith.constant 32 : i32
      %mul3A_294 = arith.muli %rem3A_292, %mul3A_293 : i32
      %dma_start3A_295 = arith.constant 1 : i32
      %dma_start3A_296 = arith.constant 0 : i32
      %dma_start3A_297 = arith.constant 0 : i32
      %dma_start3A_298 = tpu.memref_slice %arg6[%dma_start3A_295, %dma_start3A_296, %dma_start3A_297] : memref<2x512x32xf32, #tpu.memory_space<vmem>> -> memref<1x512x32xf32, #tpu.memory_space<vmem>>
      %dma_start3A_299 = tpu.memref_squeeze %dma_start3A_298 : memref<1x512x32xf32, #tpu.memory_space<vmem>> -> memref<512x32xf32, #tpu.memory_space<vmem>>
      %dma_start3A_300 = tpu.memref_slice %arg4[%div3A_290, %mul3A_2, %mul3A_294] : memref<29x16384x128xf32, #tpu.memory_space<hbm>> -> memref<1x512x32xf32, #tpu.memory_space<hbm>>
      %dma_start3A_301 = tpu.memref_squeeze %dma_start3A_300 : memref<1x512x32xf32, #tpu.memory_space<hbm>> -> memref<512x32xf32, #tpu.memory_space<hbm>>
      %dma_start3A_302 = tpu.memref_slice %arg4[%div3A_290, %mul3A_2, %mul3A_294] : memref<29x16384x128xf32, #tpu.memory_space<hbm>> -> memref<1x512x32xf32, #tpu.memory_space<hbm>>
      %dma_start3A_303 = tpu.memref_squeeze %dma_start3A_302 : memref<1x512x32xf32, #tpu.memory_space<hbm>> -> memref<512x32xf32, #tpu.memory_space<hbm>>
      %dma_start3A_304 = arith.constant 0 : i32
      %dma_start3A_305 = arith.constant 0 : i32
      %dma_start3A_306 = tpu.memref_slice %arg6[%dma_start3A_295, %dma_start3A_304, %dma_start3A_305] : memref<2x512x32xf32, #tpu.memory_space<vmem>> -> memref<1x512x32xf32, #tpu.memory_space<vmem>>
      %dma_start3A_307 = tpu.memref_squeeze %dma_start3A_306 : memref<1x512x32xf32, #tpu.memory_space<vmem>> -> memref<512x32xf32, #tpu.memory_space<vmem>>
      tpu.enqueue_dma source(%dma_start3A_307 : memref<512x32xf32, #tpu.memory_space<vmem>>) target(%dma_start3A_303 : memref<512x32xf32, #tpu.memory_space<hbm>>) target_semaphore(%arg11 : memref<!tpu.dma_semaphore, #tpu.memory_space<semaphore_mem>>)
    }
    %scan3A_19 = arith.constant 58 : i32
    %dma_wait3A_20 = arith.constant 0 : i32
    %dma_wait3A_21 = arith.constant 0 : i32
    %dma_wait3A_22 = arith.constant 0 : i32
    %dma_wait3A_23 = arith.constant 0 : i32
    %dma_wait3A_24 = tpu.memref_slice %arg6[%dma_wait3A_20, %dma_wait3A_22, %dma_wait3A_23] : memref<2x512x32xf32, #tpu.memory_space<vmem>> -> memref<1x512x32xf32, #tpu.memory_space<vmem>>
    %dma_wait3A_25 = tpu.memref_squeeze %dma_wait3A_24 : memref<1x512x32xf32, #tpu.memory_space<vmem>> -> memref<512x32xf32, #tpu.memory_space<vmem>>
    %dma_wait3A_26 = arith.constant 0 : i32
    %dma_wait3A_27 = arith.constant 0 : i32
    %dma_wait3A_28 = tpu.memref_slice %arg4[%dma_wait3A_21, %dma_wait3A_26, %dma_wait3A_27] : memref<29x16384x128xf32, #tpu.memory_space<hbm>> -> memref<1x512x32xf32, #tpu.memory_space<hbm>>
    %dma_wait3A_29 = tpu.memref_squeeze %dma_wait3A_28 : memref<1x512x32xf32, #tpu.memory_space<hbm>> -> memref<512x32xf32, #tpu.memory_space<hbm>>
    %dma_wait3A_30 = arith.constant 0 : i32
    %dma_wait3A_31 = arith.constant 0 : i32
    %dma_wait3A_32 = tpu.memref_slice %arg4[%dma_wait3A_21, %dma_wait3A_30, %dma_wait3A_31] : memref<29x16384x128xf32, #tpu.memory_space<hbm>> -> memref<1x512x32xf32, #tpu.memory_space<hbm>>
    %dma_wait3A_33 = tpu.memref_squeeze %dma_wait3A_32 : memref<1x512x32xf32, #tpu.memory_space<hbm>> -> memref<512x32xf32, #tpu.memory_space<hbm>>
    %dma_wait3A_34 = arith.constant 0 : i32
    %dma_wait3A_35 = arith.constant 0 : i32
    %dma_wait3A_36 = tpu.memref_slice %arg6[%dma_wait3A_20, %dma_wait3A_34, %dma_wait3A_35] : memref<2x512x32xf32, #tpu.memory_space<vmem>> -> memref<1x512x32xf32, #tpu.memory_space<vmem>>
    %dma_wait3A_37 = tpu.memref_squeeze %dma_wait3A_36 : memref<1x512x32xf32, #tpu.memory_space<vmem>> -> memref<512x32xf32, #tpu.memory_space<vmem>>
    tpu.wait_dma2 semaphore(%arg10 : memref<!tpu.dma_semaphore, #tpu.memory_space<semaphore_mem>>) src(%dma_wait3A_37 : memref<512x32xf32, #tpu.memory_space<vmem>>) dst(%dma_wait3A_33 : memref<512x32xf32, #tpu.memory_space<hbm>>)
    %dma_wait3A_38 = arith.constant 1 : i32
    %dma_wait3A_39 = arith.constant 0 : i32
    %dma_wait3A_40 = arith.constant 0 : i32
    %dma_wait3A_41 = arith.constant 0 : i32
    %dma_wait3A_42 = tpu.memref_slice %arg6[%dma_wait3A_38, %dma_wait3A_40, %dma_wait3A_41] : memref<2x512x32xf32, #tpu.memory_space<vmem>> -> memref<1x512x32xf32, #tpu.memory_space<vmem>>
    %dma_wait3A_43 = tpu.memref_squeeze %dma_wait3A_42 : memref<1x512x32xf32, #tpu.memory_space<vmem>> -> memref<512x32xf32, #tpu.memory_space<vmem>>
    %dma_wait3A_44 = arith.constant 0 : i32
    %dma_wait3A_45 = arith.constant 0 : i32
    %dma_wait3A_46 = tpu.memref_slice %arg4[%dma_wait3A_39, %dma_wait3A_44, %dma_wait3A_45] : memref<29x16384x128xf32, #tpu.memory_space<hbm>> -> memref<1x512x32xf32, #tpu.memory_space<hbm>>
    %dma_wait3A_47 = tpu.memref_squeeze %dma_wait3A_46 : memref<1x512x32xf32, #tpu.memory_space<hbm>> -> memref<512x32xf32, #tpu.memory_space<hbm>>
    %dma_wait3A_48 = arith.constant 0 : i32
    %dma_wait3A_49 = arith.constant 0 : i32
    %dma_wait3A_50 = tpu.memref_slice %arg4[%dma_wait3A_39, %dma_wait3A_48, %dma_wait3A_49] : memref<29x16384x128xf32, #tpu.memory_space<hbm>> -> memref<1x512x32xf32, #tpu.memory_space<hbm>>
    %dma_wait3A_51 = tpu.memref_squeeze %dma_wait3A_50 : memref<1x512x32xf32, #tpu.memory_space<hbm>> -> memref<512x32xf32, #tpu.memory_space<hbm>>
    %dma_wait3A_52 = arith.constant 0 : i32
    %dma_wait3A_53 = arith.constant 0 : i32
    %dma_wait3A_54 = tpu.memref_slice %arg6[%dma_wait3A_38, %dma_wait3A_52, %dma_wait3A_53] : memref<2x512x32xf32, #tpu.memory_space<vmem>> -> memref<1x512x32xf32, #tpu.memory_space<vmem>>
    %dma_wait3A_55 = tpu.memref_squeeze %dma_wait3A_54 : memref<1x512x32xf32, #tpu.memory_space<vmem>> -> memref<512x32xf32, #tpu.memory_space<vmem>>
    tpu.wait_dma2 semaphore(%arg11 : memref<!tpu.dma_semaphore, #tpu.memory_space<semaphore_mem>>) src(%dma_wait3A_55 : memref<512x32xf32, #tpu.memory_space<vmem>>) dst(%dma_wait3A_51 : memref<512x32xf32, #tpu.memory_space<hbm>>)
    return
  }
}

module attributes {stable_mosaic.version = 14 : i64} {
  func.func @_prep_body(%arg0: i32, %arg1: memref<20x1x1x10001xf32, #tpu.memory_space<vmem>>, %arg2: memref<2504x128xf32, #tpu.memory_space<vmem>>) attributes {dimension_semantics = [#tpu.dimension_semantics<parallel>], iteration_bounds = array<i64: 116>, scalar_prefetch = 0 : i64, scratch_operands = 0 : i64, tpu.core_type = #tpu.core_type<tc>, window_params = [{transform_indices = @transform_0, window_bounds = array<i64: 20, 1, 1, 10001>}, {transform_indices = @transform_1, window_bounds = array<i64: 2504, 128>}]} {
    %get3A = arith.constant 0 : index
    %get3A_0 = arith.constant 0 : index
    %get3A_1 = arith.constant 0 : index
    %get3A_2 = arith.constant 0 : index
    %get3A_3 = vector.load %arg1[%get3A, %get3A_0, %get3A_1, %get3A_2] : memref<20x1x1x10001xf32, #tpu.memory_space<vmem>>, vector<20x1x1x10001xf32>
    %get3A_4 = vector.shape_cast %get3A_3 : vector<20x1x1x10001xf32> to vector<20x10001xf32>
    %jit3A = arith.constant 0 : i32
    %convert_element_type3A = arith.sitofp %jit3A : i32 to f32
    %pad3A = vector.broadcast %convert_element_type3A : f32 to vector<12x10001xf32>
    %pad3A_5 = tpu.concatenate %get3A_4, %pad3A in 0 : vector<20x10001xf32>, vector<12x10001xf32> -> vector<32x10001xf32>
    %pad3A_6 = vector.broadcast %convert_element_type3A : f32 to vector<32x15xf32>
    %pad3A_7 = tpu.concatenate %pad3A_5, %pad3A_6 in 1 : vector<32x10001xf32>, vector<32x15xf32> -> vector<32x10016xf32>
    %transpose3A = tpu.transpose %pad3A_7, [1, 0] : vector<32x10016xf32> -> vector<10016x32xf32>
    %slice3A = vector.extract_strided_slice %transpose3A {offsets = [0, 0], sizes = [2504, 32], strides = [1, 1]} : vector<10016x32xf32> to vector<2504x32xf32>
    %slice3A_8 = vector.extract_strided_slice %transpose3A {offsets = [2504, 0], sizes = [2504, 32], strides = [1, 1]} : vector<10016x32xf32> to vector<2504x32xf32>
    %slice3A_9 = vector.extract_strided_slice %transpose3A {offsets = [5008, 0], sizes = [2504, 32], strides = [1, 1]} : vector<10016x32xf32> to vector<2504x32xf32>
    %slice3A_10 = vector.extract_strided_slice %transpose3A {offsets = [7512, 0], sizes = [2504, 32], strides = [1, 1]} : vector<10016x32xf32> to vector<2504x32xf32>
    %concatenate3A = tpu.concatenate %slice3A, %slice3A_8, %slice3A_9, %slice3A_10 in 1 : vector<2504x32xf32>, vector<2504x32xf32>, vector<2504x32xf32>, vector<2504x32xf32> -> vector<2504x128xf32>
    %swap3A = arith.constant 0 : index
    %swap3A_11 = arith.constant 0 : index
    %swap3A_12 = vector.load %arg2[%swap3A, %swap3A_11] : memref<2504x128xf32, #tpu.memory_space<vmem>>, vector<2504x128xf32>
    tpu.vector_store %arg2[%swap3A, %swap3A_11], %concatenate3A {strides = array<i32>} : memref<2504x128xf32, #tpu.memory_space<vmem>>, vector<2504x128xf32>,
    return
  }
  func.func @transform_0(%arg0: i32) -> (i32, i32, i32, i32) {
    %c0_i32 = arith.constant 0 : i32
    %c0_i32_0 = arith.constant 0 : i32
    %c0_i32_1 = arith.constant 0 : i32
    %c0_i32_2 = arith.constant 0 : i32
    return %c0_i32, %arg0, %c0_i32_0, %c0_i32_1 : i32, i32, i32, i32
  }
  func.func @transform_1(%arg0: i32) -> (i32, i32) {
    %c0_i32 = arith.constant 0 : i32
    %c0_i32_0 = arith.constant 0 : i32
    return %arg0, %c0_i32 : i32, i32
  }
}

module attributes {stable_mosaic.version = 14 : i64} {
  func.func @_mlp_body(%arg0: i32, %arg1: memref<29x512x128xf32, #tpu.memory_space<vmem>>, %arg2: memref<512x14xf32, #tpu.memory_space<vmem>>, %arg3: memref<14x48xf32, #tpu.memory_space<vmem>>, %arg4: memref<48xf32, #tpu.memory_space<vmem>>, %arg5: memref<3712x256xf32, #tpu.memory_space<vmem>>, %arg6: memref<48x256xf32, #tpu.memory_space<vmem>>, %arg7: memref<256xf32, #tpu.memory_space<vmem>>, %arg8: memref<256x64xf32, #tpu.memory_space<vmem>>, %arg9: memref<64xf32, #tpu.memory_space<vmem>>, %arg10: memref<64x1xf32, #tpu.memory_space<vmem>>, %arg11: memref<1x4xf32, #tpu.memory_space<vmem>>, %arg12: memref<512x1xf32, #tpu.memory_space<vmem>>) attributes {dimension_semantics = [#tpu.dimension_semantics<parallel>], iteration_bounds = array<i64: 32>, scalar_prefetch = 0 : i64, scratch_operands = 0 : i64, tpu.core_type = #tpu.core_type<tc>, window_params = [{transform_indices = @transform_0, window_bounds = array<i64: 29, 512, 128>}, {transform_indices = @transform_1, window_bounds = array<i64: 512, 14>}, {pipeline_mode = #tpu.pipeline_mode<synchronous>, transform_indices = @transform_2, window_bounds = array<i64: 14, 48>}, {pipeline_mode = #tpu.pipeline_mode<synchronous>, transform_indices = @transform_3, window_bounds = array<i64: 48>}, {pipeline_mode = #tpu.pipeline_mode<synchronous>, transform_indices = @transform_4, window_bounds = array<i64: 3712, 256>}, {pipeline_mode = #tpu.pipeline_mode<synchronous>, transform_indices = @transform_5, window_bounds = array<i64: 48, 256>}, {pipeline_mode = #tpu.pipeline_mode<synchronous>, transform_indices = @transform_6, window_bounds = array<i64: 256>}, {pipeline_mode = #tpu.pipeline_mode<synchronous>, transform_indices = @transform_7, window_bounds = array<i64: 256, 64>}, {pipeline_mode = #tpu.pipeline_mode<synchronous>, transform_indices = @transform_8, window_bounds = array<i64: 64>}, {pipeline_mode = #tpu.pipeline_mode<synchronous>, transform_indices = @transform_9, window_bounds = array<i64: 64, 1>}, {pipeline_mode = #tpu.pipeline_mode<synchronous>, transform_indices = @transform_10, window_bounds = array<i64: 1, 4>}, {transform_indices = @transform_11, window_bounds = array<i64: 512, 1>}]} {
    %get3A = arith.constant 0 : index
    %get3A_0 = arith.constant 0 : index
    %get3A_1 = vector.load %arg11[%get3A, %get3A_0] : memref<1x4xf32, #tpu.memory_space<vmem>>, vector<1x1xf32>
    %get3A_2 = vector.extract %get3A_1[0, 0] : f32 from vector<1x1xf32>
    %get3A_3 = arith.constant 0 : index
    %get3A_4 = arith.constant 1 : index
    %get3A_5 = vector.load %arg11[%get3A_3, %get3A_4] : memref<1x4xf32, #tpu.memory_space<vmem>>, vector<1x1xf32>
    %get3A_6 = vector.extract %get3A_5[0, 0] : f32 from vector<1x1xf32>
    %get3A_7 = arith.constant 0 : index
    %get3A_8 = arith.constant 2 : index
    %get3A_9 = vector.load %arg11[%get3A_7, %get3A_8] : memref<1x4xf32, #tpu.memory_space<vmem>>, vector<1x1xf32>
    %get3A_10 = vector.extract %get3A_9[0, 0] : f32 from vector<1x1xf32>
    %get3A_11 = arith.constant 0 : index
    %get3A_12 = arith.constant 3 : index
    %get3A_13 = vector.load %arg11[%get3A_11, %get3A_12] : memref<1x4xf32, #tpu.memory_space<vmem>>, vector<1x1xf32>
    %get3A_14 = vector.extract %get3A_13[0, 0] : f32 from vector<1x1xf32>
    %get3A_15 = arith.constant 0 : index
    %get3A_16 = arith.constant 0 : index
    %get3A_17 = arith.constant 0 : index
    %get3A_18 = vector.load %arg1[%get3A_15, %get3A_16, %get3A_17] : memref<29x512x128xf32, #tpu.memory_space<vmem>>, vector<1x512x128xf32>
    %get3A_19 = vector.shape_cast %get3A_18 : vector<1x512x128xf32> to vector<512x128xf32>
    %get3A_20 = arith.constant 1 : index
    %get3A_21 = arith.constant 0 : index
    %get3A_22 = arith.constant 0 : index
    %get3A_23 = vector.load %arg1[%get3A_20, %get3A_21, %get3A_22] : memref<29x512x128xf32, #tpu.memory_space<vmem>>, vector<1x512x128xf32>
    %get3A_24 = vector.shape_cast %get3A_23 : vector<1x512x128xf32> to vector<512x128xf32>
    %get3A_25 = arith.constant 2 : index
    %get3A_26 = arith.constant 0 : index
    %get3A_27 = arith.constant 0 : index
    %get3A_28 = vector.load %arg1[%get3A_25, %get3A_26, %get3A_27] : memref<29x512x128xf32, #tpu.memory_space<vmem>>, vector<1x512x128xf32>
    %get3A_29 = vector.shape_cast %get3A_28 : vector<1x512x128xf32> to vector<512x128xf32>
    %get3A_30 = arith.constant 3 : index
    %get3A_31 = arith.constant 0 : index
    %get3A_32 = arith.constant 0 : index
    %get3A_33 = vector.load %arg1[%get3A_30, %get3A_31, %get3A_32] : memref<29x512x128xf32, #tpu.memory_space<vmem>>, vector<1x512x128xf32>
    %get3A_34 = vector.shape_cast %get3A_33 : vector<1x512x128xf32> to vector<512x128xf32>
    %get3A_35 = arith.constant 4 : index
    %get3A_36 = arith.constant 0 : index
    %get3A_37 = arith.constant 0 : index
    %get3A_38 = vector.load %arg1[%get3A_35, %get3A_36, %get3A_37] : memref<29x512x128xf32, #tpu.memory_space<vmem>>, vector<1x512x128xf32>
    %get3A_39 = vector.shape_cast %get3A_38 : vector<1x512x128xf32> to vector<512x128xf32>
    %get3A_40 = arith.constant 5 : index
    %get3A_41 = arith.constant 0 : index
    %get3A_42 = arith.constant 0 : index
    %get3A_43 = vector.load %arg1[%get3A_40, %get3A_41, %get3A_42] : memref<29x512x128xf32, #tpu.memory_space<vmem>>, vector<1x512x128xf32>
    %get3A_44 = vector.shape_cast %get3A_43 : vector<1x512x128xf32> to vector<512x128xf32>
    %get3A_45 = arith.constant 6 : index
    %get3A_46 = arith.constant 0 : index
    %get3A_47 = arith.constant 0 : index
    %get3A_48 = vector.load %arg1[%get3A_45, %get3A_46, %get3A_47] : memref<29x512x128xf32, #tpu.memory_space<vmem>>, vector<1x512x128xf32>
    %get3A_49 = vector.shape_cast %get3A_48 : vector<1x512x128xf32> to vector<512x128xf32>
    %get3A_50 = arith.constant 7 : index
    %get3A_51 = arith.constant 0 : index
    %get3A_52 = arith.constant 0 : index
    %get3A_53 = vector.load %arg1[%get3A_50, %get3A_51, %get3A_52] : memref<29x512x128xf32, #tpu.memory_space<vmem>>, vector<1x512x128xf32>
    %get3A_54 = vector.shape_cast %get3A_53 : vector<1x512x128xf32> to vector<512x128xf32>
    %get3A_55 = arith.constant 8 : index
    %get3A_56 = arith.constant 0 : index
    %get3A_57 = arith.constant 0 : index
    %get3A_58 = vector.load %arg1[%get3A_55, %get3A_56, %get3A_57] : memref<29x512x128xf32, #tpu.memory_space<vmem>>, vector<1x512x128xf32>
    %get3A_59 = vector.shape_cast %get3A_58 : vector<1x512x128xf32> to vector<512x128xf32>
    %get3A_60 = arith.constant 9 : index
    %get3A_61 = arith.constant 0 : index
    %get3A_62 = arith.constant 0 : index
    %get3A_63 = vector.load %arg1[%get3A_60, %get3A_61, %get3A_62] : memref<29x512x128xf32, #tpu.memory_space<vmem>>, vector<1x512x128xf32>
    %get3A_64 = vector.shape_cast %get3A_63 : vector<1x512x128xf32> to vector<512x128xf32>
    %get3A_65 = arith.constant 10 : index
    %get3A_66 = arith.constant 0 : index
    %get3A_67 = arith.constant 0 : index
    %get3A_68 = vector.load %arg1[%get3A_65, %get3A_66, %get3A_67] : memref<29x512x128xf32, #tpu.memory_space<vmem>>, vector<1x512x128xf32>
    %get3A_69 = vector.shape_cast %get3A_68 : vector<1x512x128xf32> to vector<512x128xf32>
    %get3A_70 = arith.constant 11 : index
    %get3A_71 = arith.constant 0 : index
    %get3A_72 = arith.constant 0 : index
    %get3A_73 = vector.load %arg1[%get3A_70, %get3A_71, %get3A_72] : memref<29x512x128xf32, #tpu.memory_space<vmem>>, vector<1x512x128xf32>
    %get3A_74 = vector.shape_cast %get3A_73 : vector<1x512x128xf32> to vector<512x128xf32>
    %get3A_75 = arith.constant 12 : index
    %get3A_76 = arith.constant 0 : index
    %get3A_77 = arith.constant 0 : index
    %get3A_78 = vector.load %arg1[%get3A_75, %get3A_76, %get3A_77] : memref<29x512x128xf32, #tpu.memory_space<vmem>>, vector<1x512x128xf32>
    %get3A_79 = vector.shape_cast %get3A_78 : vector<1x512x128xf32> to vector<512x128xf32>
    %get3A_80 = arith.constant 13 : index
    %get3A_81 = arith.constant 0 : index
    %get3A_82 = arith.constant 0 : index
    %get3A_83 = vector.load %arg1[%get3A_80, %get3A_81, %get3A_82] : memref<29x512x128xf32, #tpu.memory_space<vmem>>, vector<1x512x128xf32>
    %get3A_84 = vector.shape_cast %get3A_83 : vector<1x512x128xf32> to vector<512x128xf32>
    %get3A_85 = arith.constant 14 : index
    %get3A_86 = arith.constant 0 : index
    %get3A_87 = arith.constant 0 : index
    %get3A_88 = vector.load %arg1[%get3A_85, %get3A_86, %get3A_87] : memref<29x512x128xf32, #tpu.memory_space<vmem>>, vector<1x512x128xf32>
    %get3A_89 = vector.shape_cast %get3A_88 : vector<1x512x128xf32> to vector<512x128xf32>
    %get3A_90 = arith.constant 15 : index
    %get3A_91 = arith.constant 0 : index
    %get3A_92 = arith.constant 0 : index
    %get3A_93 = vector.load %arg1[%get3A_90, %get3A_91, %get3A_92] : memref<29x512x128xf32, #tpu.memory_space<vmem>>, vector<1x512x128xf32>
    %get3A_94 = vector.shape_cast %get3A_93 : vector<1x512x128xf32> to vector<512x128xf32>
    %get3A_95 = arith.constant 16 : index
    %get3A_96 = arith.constant 0 : index
    %get3A_97 = arith.constant 0 : index
    %get3A_98 = vector.load %arg1[%get3A_95, %get3A_96, %get3A_97] : memref<29x512x128xf32, #tpu.memory_space<vmem>>, vector<1x512x128xf32>
    %get3A_99 = vector.shape_cast %get3A_98 : vector<1x512x128xf32> to vector<512x128xf32>
    %get3A_100 = arith.constant 17 : index
    %get3A_101 = arith.constant 0 : index
    %get3A_102 = arith.constant 0 : index
    %get3A_103 = vector.load %arg1[%get3A_100, %get3A_101, %get3A_102] : memref<29x512x128xf32, #tpu.memory_space<vmem>>, vector<1x512x128xf32>
    %get3A_104 = vector.shape_cast %get3A_103 : vector<1x512x128xf32> to vector<512x128xf32>
    %get3A_105 = arith.constant 18 : index
    %get3A_106 = arith.constant 0 : index
    %get3A_107 = arith.constant 0 : index
    %get3A_108 = vector.load %arg1[%get3A_105, %get3A_106, %get3A_107] : memref<29x512x128xf32, #tpu.memory_space<vmem>>, vector<1x512x128xf32>
    %get3A_109 = vector.shape_cast %get3A_108 : vector<1x512x128xf32> to vector<512x128xf32>
    %get3A_110 = arith.constant 19 : index
    %get3A_111 = arith.constant 0 : index
    %get3A_112 = arith.constant 0 : index
    %get3A_113 = vector.load %arg1[%get3A_110, %get3A_111, %get3A_112] : memref<29x512x128xf32, #tpu.memory_space<vmem>>, vector<1x512x128xf32>
    %get3A_114 = vector.shape_cast %get3A_113 : vector<1x512x128xf32> to vector<512x128xf32>
    %get3A_115 = arith.constant 20 : index
    %get3A_116 = arith.constant 0 : index
    %get3A_117 = arith.constant 0 : index
    %get3A_118 = vector.load %arg1[%get3A_115, %get3A_116, %get3A_117] : memref<29x512x128xf32, #tpu.memory_space<vmem>>, vector<1x512x128xf32>
    %get3A_119 = vector.shape_cast %get3A_118 : vector<1x512x128xf32> to vector<512x128xf32>
    %get3A_120 = arith.constant 21 : index
    %get3A_121 = arith.constant 0 : index
    %get3A_122 = arith.constant 0 : index
    %get3A_123 = vector.load %arg1[%get3A_120, %get3A_121, %get3A_122] : memref<29x512x128xf32, #tpu.memory_space<vmem>>, vector<1x512x128xf32>
    %get3A_124 = vector.shape_cast %get3A_123 : vector<1x512x128xf32> to vector<512x128xf32>
    %get3A_125 = arith.constant 22 : index
    %get3A_126 = arith.constant 0 : index
    %get3A_127 = arith.constant 0 : index
    %get3A_128 = vector.load %arg1[%get3A_125, %get3A_126, %get3A_127] : memref<29x512x128xf32, #tpu.memory_space<vmem>>, vector<1x512x128xf32>
    %get3A_129 = vector.shape_cast %get3A_128 : vector<1x512x128xf32> to vector<512x128xf32>
    %get3A_130 = arith.constant 23 : index
    %get3A_131 = arith.constant 0 : index
    %get3A_132 = arith.constant 0 : index
    %get3A_133 = vector.load %arg1[%get3A_130, %get3A_131, %get3A_132] : memref<29x512x128xf32, #tpu.memory_space<vmem>>, vector<1x512x128xf32>
    %get3A_134 = vector.shape_cast %get3A_133 : vector<1x512x128xf32> to vector<512x128xf32>
    %get3A_135 = arith.constant 24 : index
    %get3A_136 = arith.constant 0 : index
    %get3A_137 = arith.constant 0 : index
    %get3A_138 = vector.load %arg1[%get3A_135, %get3A_136, %get3A_137] : memref<29x512x128xf32, #tpu.memory_space<vmem>>, vector<1x512x128xf32>
    %get3A_139 = vector.shape_cast %get3A_138 : vector<1x512x128xf32> to vector<512x128xf32>
    %get3A_140 = arith.constant 25 : index
    %get3A_141 = arith.constant 0 : index
    %get3A_142 = arith.constant 0 : index
    %get3A_143 = vector.load %arg1[%get3A_140, %get3A_141, %get3A_142] : memref<29x512x128xf32, #tpu.memory_space<vmem>>, vector<1x512x128xf32>
    %get3A_144 = vector.shape_cast %get3A_143 : vector<1x512x128xf32> to vector<512x128xf32>
    %get3A_145 = arith.constant 26 : index
    %get3A_146 = arith.constant 0 : index
    %get3A_147 = arith.constant 0 : index
    %get3A_148 = vector.load %arg1[%get3A_145, %get3A_146, %get3A_147] : memref<29x512x128xf32, #tpu.memory_space<vmem>>, vector<1x512x128xf32>
    %get3A_149 = vector.shape_cast %get3A_148 : vector<1x512x128xf32> to vector<512x128xf32>
    %get3A_150 = arith.constant 27 : index
    %get3A_151 = arith.constant 0 : index
    %get3A_152 = arith.constant 0 : index
    %get3A_153 = vector.load %arg1[%get3A_150, %get3A_151, %get3A_152] : memref<29x512x128xf32, #tpu.memory_space<vmem>>, vector<1x512x128xf32>
    %get3A_154 = vector.shape_cast %get3A_153 : vector<1x512x128xf32> to vector<512x128xf32>
    %get3A_155 = arith.constant 28 : index
    %get3A_156 = arith.constant 0 : index
    %get3A_157 = arith.constant 0 : index
    %get3A_158 = vector.load %arg1[%get3A_155, %get3A_156, %get3A_157] : memref<29x512x128xf32, #tpu.memory_space<vmem>>, vector<1x512x128xf32>
    %get3A_159 = vector.shape_cast %get3A_158 : vector<1x512x128xf32> to vector<512x128xf32>
    %concatenate3A = tpu.concatenate %get3A_19, %get3A_24, %get3A_29, %get3A_34, %get3A_39, %get3A_44, %get3A_49, %get3A_54, %get3A_59, %get3A_64, %get3A_69, %get3A_74, %get3A_79, %get3A_84, %get3A_89, %get3A_94, %get3A_99, %get3A_104, %get3A_109, %get3A_114, %get3A_119, %get3A_124, %get3A_129, %get3A_134, %get3A_139, %get3A_144, %get3A_149, %get3A_154, %get3A_159 in 1 : vector<512x128xf32>, vector<512x128xf32>, vector<512x128xf32>, vector<512x128xf32>, vector<512x128xf32>, vector<512x128xf32>, vector<512x128xf32>, vector<512x128xf32>, vector<512x128xf32>, vector<512x128xf32>, vector<512x128xf32>, vector<512x128xf32>, vector<512x128xf32>, vector<512x128xf32>, vector<512x128xf32>, vector<512x128xf32>, vector<512x128xf32>, vector<512x128xf32>, vector<512x128xf32>, vector<512x128xf32>, vector<512x128xf32>, vector<512x128xf32>, vector<512x128xf32>, vector<512x128xf32>, vector<512x128xf32>, vector<512x128xf32>, vector<512x128xf32>, vector<512x128xf32>, vector<512x128xf32> -> vector<512x3712xf32>
    %ge3A = arith.constant 0.000000e+00 : f32
    %ge3A_160 = vector.broadcast %ge3A : f32 to vector<512x3712xf32>
    %ge3A_161 = arith.cmpf oge, %concatenate3A, %ge3A_160 : vector<512x3712xf32>
    %mul3A = vector.broadcast %get3A_2 : f32 to vector<512x3712xf32>
    %mul3A_162 = arith.mulf %mul3A, %concatenate3A : vector<512x3712xf32>
    %select_n3A = arith.select %ge3A_161, %concatenate3A, %mul3A_162 : vector<512x3712xi1>, vector<512x3712xf32>
    %get3A_163 = arith.constant 0 : index
    %get3A_164 = arith.constant 0 : index
    %get3A_165 = vector.load %arg2[%get3A_163, %get3A_164] : memref<512x14xf32, #tpu.memory_space<vmem>>, vector<512x14xf32>
    %get3A_166 = arith.constant 0 : index
    %get3A_167 = arith.constant 0 : index
    %get3A_168 = vector.load %arg3[%get3A_166, %get3A_167] : memref<14x48xf32, #tpu.memory_space<vmem>>, vector<14x48xf32>
    %dot_general3A = arith.constant dense<0.000000e+00> : vector<512x48xf32>
    %dot_general3A_169 = tpu.matmul %get3A_165, %get3A_168, %dot_general3A {dimension_numbers = #tpu.dot_dimension_numbers<[1], [0], [0], [1], [0, 0, 1, 1], [], []>, transpose_lhs_hint = false} : vector<512x14xf32>, vector<14x48xf32>, vector<512x48xf32> -> vector<512x48xf32>
    %get3A_170 = arith.constant 0 : index
    %get3A_171 = vector.load %arg4[%get3A_170] : memref<48xf32, #tpu.memory_space<vmem>>, vector<48xf32>
    %broadcast_in_dim3A = vector.shape_cast %get3A_171 : vector<48xf32> to vector<1x48xf32>
    %add3A = vector.broadcast %broadcast_in_dim3A : vector<1x48xf32> to vector<512x48xf32>
    %add3A_172 = arith.addf %dot_general3A_169, %add3A : vector<512x48xf32>
    %ge3A_173 = arith.constant 0.000000e+00 : f32
    %ge3A_174 = vector.broadcast %ge3A_173 : f32 to vector<512x48xf32>
    %ge3A_175 = arith.cmpf oge, %add3A_172, %ge3A_174 : vector<512x48xf32>
    %mul3A_176 = vector.broadcast %get3A_2 : f32 to vector<512x48xf32>
    %mul3A_177 = arith.mulf %mul3A_176, %add3A_172 : vector<512x48xf32>
    %select_n3A_178 = arith.select %ge3A_175, %add3A_172, %mul3A_177 : vector<512x48xi1>, vector<512x48xf32>
    %get3A_179 = arith.constant 0 : index
    %get3A_180 = arith.constant 0 : index
    %get3A_181 = vector.load %arg5[%get3A_179, %get3A_180] : memref<3712x256xf32, #tpu.memory_space<vmem>>, vector<3712x256xf32>
    %dot_general3A_182 = arith.constant dense<0.000000e+00> : vector<512x256xf32>
    %dot_general3A_183 = tpu.matmul %select_n3A, %get3A_181, %dot_general3A_182 {dimension_numbers = #tpu.dot_dimension_numbers<[1], [0], [0], [1], [0, 0, 1, 1], [], []>, transpose_lhs_hint = false} : vector<512x3712xf32>, vector<3712x256xf32>, vector<512x256xf32> -> vector<512x256xf32>
    %get3A_184 = arith.constant 0 : index
    %get3A_185 = arith.constant 0 : index
    %get3A_186 = vector.load %arg6[%get3A_184, %get3A_185] : memref<48x256xf32, #tpu.memory_space<vmem>>, vector<48x256xf32>
    %dot_general3A_187 = arith.constant dense<0.000000e+00> : vector<512x256xf32>
    %dot_general3A_188 = tpu.matmul %select_n3A_178, %get3A_186, %dot_general3A_187 {dimension_numbers = #tpu.dot_dimension_numbers<[1], [0], [0], [1], [0, 0, 1, 1], [], []>, transpose_lhs_hint = false} : vector<512x48xf32>, vector<48x256xf32>, vector<512x256xf32> -> vector<512x256xf32>
    %add3A_189 = arith.addf %dot_general3A_183, %dot_general3A_188 : vector<512x256xf32>
    %get3A_190 = arith.constant 0 : index
    %get3A_191 = vector.load %arg7[%get3A_190] : memref<256xf32, #tpu.memory_space<vmem>>, vector<256xf32>
    %broadcast_in_dim3A_192 = vector.shape_cast %get3A_191 : vector<256xf32> to vector<1x256xf32>
    %add3A_193 = vector.broadcast %broadcast_in_dim3A_192 : vector<1x256xf32> to vector<512x256xf32>
    %add3A_194 = arith.addf %add3A_189, %add3A_193 : vector<512x256xf32>
    %ge3A_195 = arith.constant 0.000000e+00 : f32
    %ge3A_196 = vector.broadcast %ge3A_195 : f32 to vector<512x256xf32>
    %ge3A_197 = arith.cmpf oge, %add3A_194, %ge3A_196 : vector<512x256xf32>
    %mul3A_198 = vector.broadcast %get3A_6 : f32 to vector<512x256xf32>
    %mul3A_199 = arith.mulf %mul3A_198, %add3A_194 : vector<512x256xf32>
    %select_n3A_200 = arith.select %ge3A_197, %add3A_194, %mul3A_199 : vector<512x256xi1>, vector<512x256xf32>
    %get3A_201 = arith.constant 0 : index
    %get3A_202 = arith.constant 0 : index
    %get3A_203 = vector.load %arg8[%get3A_201, %get3A_202] : memref<256x64xf32, #tpu.memory_space<vmem>>, vector<256x64xf32>
    %dot_general3A_204 = arith.constant dense<0.000000e+00> : vector<512x64xf32>
    %dot_general3A_205 = tpu.matmul %select_n3A_200, %get3A_203, %dot_general3A_204 {dimension_numbers = #tpu.dot_dimension_numbers<[1], [0], [0], [1], [0, 0, 1, 1], [], []>, transpose_lhs_hint = false} : vector<512x256xf32>, vector<256x64xf32>, vector<512x64xf32> -> vector<512x64xf32>
    %get3A_206 = arith.constant 0 : index
    %get3A_207 = vector.load %arg9[%get3A_206] : memref<64xf32, #tpu.memory_space<vmem>>, vector<64xf32>
    %broadcast_in_dim3A_208 = vector.shape_cast %get3A_207 : vector<64xf32> to vector<1x64xf32>
    %add3A_209 = vector.broadcast %broadcast_in_dim3A_208 : vector<1x64xf32> to vector<512x64xf32>
    %add3A_210 = arith.addf %dot_general3A_205, %add3A_209 : vector<512x64xf32>
    %ge3A_211 = arith.constant 0.000000e+00 : f32
    %ge3A_212 = vector.broadcast %ge3A_211 : f32 to vector<512x64xf32>
    %ge3A_213 = arith.cmpf oge, %add3A_210, %ge3A_212 : vector<512x64xf32>
    %mul3A_214 = vector.broadcast %get3A_10 : f32 to vector<512x64xf32>
    %mul3A_215 = arith.mulf %mul3A_214, %add3A_210 : vector<512x64xf32>
    %select_n3A_216 = arith.select %ge3A_213, %add3A_210, %mul3A_215 : vector<512x64xi1>, vector<512x64xf32>
    %get3A_217 = arith.constant 0 : index
    %get3A_218 = arith.constant 0 : index
    %get3A_219 = vector.load %arg10[%get3A_217, %get3A_218] : memref<64x1xf32, #tpu.memory_space<vmem>>, vector<64x1xf32>
    %dot_general3A_220 = arith.constant dense<0.000000e+00> : vector<512x1xf32>
    %dot_general3A_221 = tpu.matmul %select_n3A_216, %get3A_219, %dot_general3A_220 {dimension_numbers = #tpu.dot_dimension_numbers<[1], [0], [0], [1], [0, 0, 1, 1], [], []>, transpose_lhs_hint = false} : vector<512x64xf32>, vector<64x1xf32>, vector<512x1xf32> -> vector<512x1xf32>
    %add3A_222 = vector.broadcast %get3A_14 : f32 to vector<512x1xf32>
    %add3A_223 = arith.addf %dot_general3A_221, %add3A_222 : vector<512x1xf32>
    %swap3A = arith.constant 0 : index
    %swap3A_224 = arith.constant 0 : index
    %swap3A_225 = vector.load %arg12[%swap3A, %swap3A_224] : memref<512x1xf32, #tpu.memory_space<vmem>>, vector<512x1xf32>
    tpu.vector_store %arg12[%swap3A, %swap3A_224], %add3A_223 {strides = array<i32>} : memref<512x1xf32, #tpu.memory_space<vmem>>, vector<512x1xf32>,
    return
  }
  func.func @transform_0(%arg0: i32) -> (i32, i32, i32) {
    %c0_i32 = arith.constant 0 : i32
    %c0_i32_0 = arith.constant 0 : i32
    %c0_i32_1 = arith.constant 0 : i32
    return %c0_i32, %arg0, %c0_i32_0 : i32, i32, i32
  }
  func.func @transform_1(%arg0: i32) -> (i32, i32) {
    %c0_i32 = arith.constant 0 : i32
    %c0_i32_0 = arith.constant 0 : i32
    return %arg0, %c0_i32 : i32, i32
  }
  func.func @transform_2(%arg0: i32) -> (i32, i32) {
    %c0_i32 = arith.constant 0 : i32
    %c0_i32_0 = arith.constant 0 : i32
    %c0_i32_1 = arith.constant 0 : i32
    return %c0_i32, %c0_i32_0 : i32, i32
  }
  func.func @transform_3(%arg0: i32) -> i32 {
    %c0_i32 = arith.constant 0 : i32
    %c0_i32_0 = arith.constant 0 : i32
    return %c0_i32 : i32
  }
  func.func @transform_4(%arg0: i32) -> (i32, i32) {
    %c0_i32 = arith.constant 0 : i32
    %c0_i32_0 = arith.constant 0 : i32
    %c0_i32_1 = arith.constant 0 : i32
    return %c0_i32, %c0_i32_0 : i32, i32
  }
  func.func @transform_5(%arg0: i32) -> (i32, i32) {
    %c0_i32 = arith.constant 0 : i32
    %c0_i32_0 = arith.constant 0 : i32
    %c0_i32_1 = arith.constant 0 : i32
    return %c0_i32, %c0_i32_0 : i32, i32
  }
  func.func @transform_6(%arg0: i32) -> i32 {
    %c0_i32 = arith.constant 0 : i32
    %c0_i32_0 = arith.constant 0 : i32
    return %c0_i32 : i32
  }
  func.func @transform_7(%arg0: i32) -> (i32, i32) {
    %c0_i32 = arith.constant 0 : i32
    %c0_i32_0 = arith.constant 0 : i32
    %c0_i32_1 = arith.constant 0 : i32
    return %c0_i32, %c0_i32_0 : i32, i32
  }
  func.func @transform_8(%arg0: i32) -> i32 {
    %c0_i32 = arith.constant 0 : i32
    %c0_i32_0 = arith.constant 0 : i32
    return %c0_i32 : i32
  }
  func.func @transform_9(%arg0: i32) -> (i32, i32) {
    %c0_i32 = arith.constant 0 : i32
    %c0_i32_0 = arith.constant 0 : i32
    %c0_i32_1 = arith.constant 0 : i32
    return %c0_i32, %c0_i32_0 : i32, i32
  }
  func.func @transform_10(%arg0: i32) -> (i32, i32) {
    %c0_i32 = arith.constant 0 : i32
    %c0_i32_0 = arith.constant 0 : i32
    %c0_i32_1 = arith.constant 0 : i32
    return %c0_i32, %c0_i32_0 : i32, i32
  }
  func.func @transform_11(%arg0: i32) -> (i32, i32) {
    %c0_i32 = arith.constant 0 : i32
    %c0_i32_0 = arith.constant 0 : i32
    return %arg0, %c0_i32 : i32, i32
  }
}

</mosaic_0001>

<sc_bundles>
// kernel: kernel.5.cloned.1.call-start
scs
__scs_entry_jumppad:
0x0: {  	(pc) =	sbr.rel $0x88, $3  }
0x1: {  	(tag) =	ssettag $0x0;
	lr =	simm.s32 $0x1  }
0x2: {  	[smem:$0x3F8F] =	sst lr;
	_ =	strace $0xD0000000  }
0x3: {  	_ = 	snop  }
0x4: {  	_ = 	snop  }
0x5: {  	_ = 	snop  }
0x6: {  	_ = 	snop  }
0x7: {  	_ = 	snop  }
__scs_overlays_trampoline_lowered:
0x8: {  	[smem:$0x3F9E] =	sst s0  }
0x9: {  	[smem:$0x3F9F] =	sst s1  }
0xa: {  	[smem:$0x3FA0] =	sst s2  }
0xb: {  	[smem:$0x3FA1] =	sst s3  }
0xc: {  	[smem:$0x3FA2] =	sst s4  }
0xd: {  	[smem:$0x3FA3] =	sst s5  }
0xe: {  	[smem:$0x3FA4] =	sst s6  }
0xf: {  	[smem:$0x3FA5] =	sst s7  }
0x10: {  	[smem:$0x3FA6] =	sst s8  }
0x11: {  	[smem:$0x3FA7] =	sst s9;
	s0 =	simm.s32 @!p0 $0x0  }
0x12: {  	s1 =	sld [smem:$0x3F8D];
	s0 =	simm.s32 @p0 $0x1  }
0x13: {  	[smem:$0x3FA8] =	sst s0;
	s0 =	simm.s32 @!p1 $0x0  }
0x14: {  	s2 =	sld [smem:$0x3F8C];
	s0 =	simm.s32 @p1 $0x1  }
0x15: {  	[smem:$0x3FA9] =	sst s0;
	s0 =	simm.s32 @!p2 $0x0  }
0x16: {  	s3 =	sld [smem:$0x3FDB];
	s0 =	simm.s32 @p2 $0x1  }
0x17: {  	s4 =	simm.s32 $0x1BF5;
	[smem:$0x3FAB] =	sst s0  }
0x18: {  	s0 =	sld [smem:$0x3F8E];
	_ =	swait.ge [sflag:s4], $0x0  }
0x19: {  	s7 =	sld [smem:$0x3F8F]  }
0x1a: {  	s8 =	sadd.s32 $0xFFFFE003, lr  }
0x1b: {  	s9 =	sadd.s32 $0xFFFFFEF7, lr;
	s5 =	simm.s32 $0xFFFFFFFF;
	p2 =	slt.u32 s8, $0xFFFFF086  }
0x1c: {  	p1 =	slt.u32 s9, $0xF7A;
	s5 =	simm.s32 @!p2 $0x0  }
0x1d: {  	s5 =	simm.s32 @p1 $0x1;
	p0 =	seq.s32 s7, s2  }
0x1e: {  	s7 =	smul.u32 @!p0 $0xF7A, s2;
	p2 =	seq.s32 @!p0 s5, $0x0  }
0x1f: {  	s9 =	smul.u32 $0xF7A, s1;
	s8 =	simm.s32 @!p0 $0x1BF5;
	p2 =	por !p2, p0  }
0x20: {  	[sflag:s8] =	ssyncset.s32 @!p0 $0xFFFFF086;
	s6 =	sadd.s32 @!p0 s3, s7;
	s7 =	simm.s32 @!p0 $0x108  }
0x21: {  	s3 =	sadd.s32 s3, s9;
	s6 =	sadd.s32 @!p0 $0x88, s6;
	s7 =	simm.s32 @p2 $0x1082  }
0x22: {  	[simem:s7], [sflag:s8] =	dma.local @!p0 [hbm:s6], $0xF7A  }
0x23: {  	s9 =	sor.u32 $0xD0000000, s2;
	s6 =	simm.s32 $0x108;
	_ =	swait.ge @!p0 [sflag:s8], $0x0  }
0x24: {  	s3 =	sadd.s32 $0x88, s3;
	s6 =	simm.s32 @!p1 $0x1082;
	[sflag:s4] =	ssyncset.s32 $0xFFFFF086  }
0x25: {  	[simem:s6], [sflag:s4] =	dma.local [hbm:s3], $0xF7A  }
0x26: {  	[smem:$0x3F8F] =	sst s1;
	(tag) =	ssettag s2;
	_ =	strace s9  }
0x27: {  	s1 =	sld [smem:$0x3F9F]  }
0x28: {  	s2 =	sld [smem:$0x3FA0]  }
0x29: {  	s4 =	sld [smem:$0x3FA2]  }
0x2a: {  	p0 =	seq.s32 s5, $0x0;
	s5 =	sld [smem:$0x3FA3]  }
0x2b: {  	s6 =	sld [smem:$0x3FA4]  }
0x2c: {  	s7 =	sld [smem:$0x3FA5]  }
0x2d: {  	s3 =	simm.s32 $0x108;
	s8 =	sld [smem:$0x3FA6]  }
0x2e: {  	s3 =	simm.s32 @!p0 $0x1082;
	s9 =	sld [smem:$0x3FA7]  }
0x2f: {  	lr =	sadd.s32 s0, s3;
	s0 =	sld [smem:$0x3F9E]  }
0x30: {  	s3 =	sld [smem:$0x3FA1]  }
0x31: {  	[smem:$0x3FAA] =	sst s10  }
0x32: {  	s10 =	sld [smem:$0x3FA8];
	_ =	sdelay $0x3  }
0x33: {  	p0 =	seq.s32 s10, $0x1;
	s10 =	sld [smem:$0x3FAA];
	_ =	sdelay $0x3  }
0x34: {  	[smem:$0x3FAA] =	sst s10  }
0x35: {  	s10 =	sld [smem:$0x3FA9];
	_ =	sdelay $0x3  }
0x36: {  	p1 =	seq.s32 s10, $0x1;
	s10 =	sld [smem:$0x3FAA];
	_ =	sdelay $0x3  }
0x37: {  	[smem:$0x3FAA] =	sst s10  }
0x38: {  	s10 =	sld [smem:$0x3FAB]  }
0x39: {  	_ = 	snop;
	(pc) =	sbr.ind lr, $3  }
0x3a: {  	_ = 	snop  }
0x3b: {  	_ = 	snop  }
0x3c: {  	p2 =	seq.s32 s10, $0x1;
	s10 =	sld [smem:$0x3FAA]  }
0x3d: {  	_ =	shalt  }
0x3e: {  	_ =	shalt  }
0x3f: {  	_ =	shalt  }
0x40: {  	_ =	shalt  }
0x41: {  	_ =	shalt  }
0x42: {  	_ =	shalt  }
0x43: {  	_ =	shalt  }
0x44: {  	_ =	shalt  }
0x45: {  	_ =	shalt  }
0x46: {  	_ =	shalt  }
0x47: {  	_ =	shalt  }
0x48: {  	_ =	shalt  }
0x49: {  	_ =	shalt  }
0x4a: {  	_ =	shalt  }
0x4b: {  	_ =	shalt  }
0x4c: {  	_ =	shalt  }
0x4d: {  	_ =	shalt  }
0x4e: {  	_ =	shalt  }
0x4f: {  	_ =	shalt  }
0x50: {  	_ =	shalt  }
0x51: {  	_ =	shalt  }
0x52: {  	_ =	shalt  }
0x53: {  	_ =	shalt  }
0x54: {  	_ =	shalt  }
0x55: {  	_ =	shalt  }
0x56: {  	_ =	shalt  }
0x57: {  	_ =	shalt  }
0x58: {  	_ =	shalt  }
0x59: {  	_ =	shalt  }
0x5a: {  	_ =	shalt  }
0x5b: {  	_ =	shalt  }
0x5c: {  	_ =	shalt  }
0x5d: {  	_ =	shalt  }
0x5e: {  	_ =	shalt  }
0x5f: {  	_ =	shalt  }
0x60: {  	_ =	shalt  }
0x61: {  	_ =	shalt  }
0x62: {  	_ =	shalt  }
0x63: {  	_ =	shalt  }
0x64: {  	_ =	shalt  }
0x65: {  	_ =	shalt  }
0x66: {  	_ =	shalt  }
0x67: {  	_ =	shalt  }
0x68: {  	_ =	shalt  }
0x69: {  	_ =	shalt  }
0x6a: {  	_ =	shalt  }
0x6b: {  	_ =	shalt  }
0x6c: {  	_ =	shalt  }
0x6d: {  	_ =	shalt  }
0x6e: {  	_ =	shalt  }
0x6f: {  	_ =	shalt  }
0x70: {  	_ =	shalt  }
0x71: {  	_ =	shalt  }
0x72: {  	_ =	shalt  }
0x73: {  	_ =	shalt  }
0x74: {  	_ =	shalt  }
0x75: {  	_ =	shalt  }
0x76: {  	_ =	shalt  }
0x77: {  	_ =	shalt  }
0x78: {  	_ =	shalt  }
0x79: {  	_ =	shalt  }
0x7a: {  	_ =	shalt  }
0x7b: {  	_ =	shalt  }
0x7c: {  	_ =	shalt  }
0x7d: {  	_ =	shalt  }
0x7e: {  	_ =	shalt  }
0x7f: {  	_ =	shalt  }
0x80: {  	_ =	shalt  }
0x81: {  	_ =	shalt  }
0x82: {  	_ =	shalt  }
0x83: {  	_ =	shalt  }
0x84: {  	_ =	shalt  }
0x85: {  	_ =	shalt  }
0x86: {  	_ =	shalt  }
0x87: {  	_ =	shalt  }
.Lfunc_end0:
.L_simem_size_0:
called_computation_lowered:
.L_overlay_start_0:
0x88: {  	s2 =	sld [smem:$0x3FD9]  }
0x89: {  	s3 =	sld [smem:$0x3FFE];
	_ =	sdelay $0x1  }
0x8a: {  	s1 =	srdreg.scid  }
0x8b: {  	s0 =	sand.u32 $0x1, s1  }
0x8c: {  	s16 =	sshll.u32 s0, $0xA;
	s2 =	sadd.s32 s3, s2  }
0x8d: {  	s2 =	sadd.s32 s2, s16  }
0x8e: {  	[smem:$0x3FB6] =	sst s2  }
0x8f: {  	_ = 	snop  }
0x90: {  	(tm) =	ssettm $0x1  }
0x91: {  	s17 =	sld [smem:$0x3FFB];
	_ =	sdelay $0x3  }
0x92: {  	_ =	strace s17  }
0x93: {  	s2 =	sld [smem:$0x3FFC];
	_ =	sdelay $0x3  }
0x94: {  	_ =	strace s2  }
0x95: {  	s2 =	sld [smem:$0x3FFD];
	_ =	sdelay $0x3  }
0x96: {  	_ =	strace s2  }
0x97: {  	_ =	strace $0x8FFFFFFF  }
0x98: {  	s18 =	sld [smem:$0x3FDB];
	_ =	sdelay $0x1  }
0x99: {  	s19 =	simm.s32 $_scs_section_size  }
0x9a: {  	s4 =	simm.s32 $_size__tile_overlayer_lowered;
	s5 =	simm.s32 $_tile_overlayer_lowered  }
0x9b: {  	s22 =	simm.s32 $0x1BFF;
	s21 =	sshll.u32 s5, $0x1;
	s2 =	sadd.s32 s19, s18  }
0x9c: {  	s6 =	simm.s32 $0x0;
	s20 =	sshll.u32 s4, $0x1;
	s4 =	sadd.s32 s21, s2  }
0x9d: {  	[timem:s6], [sflag:s22] =	dma.local [hbm:s4], s20  }
0x9e: {  	_ =	swait.ge [sflag:s22], s20  }
0x9f: {  	s3 =	ssub.s32 $0x0, s20;
	[sflag:s22] =	ssyncset.done $0x0  }
0xa0: {  	[sflag:s22] =	ssyncadd.s32 s3;
	_ =	sdelay $0x1  }
0xa1: {  	s23 =	simm.s32 $0x1B8B  }
0xa2: {  	_ =	swait.ge [sflag:s23], $0x1  }
0xa3: {  	[sflag:s23] =	ssyncset.done $0x0  }
0xa4: {  	s25 =	simm.s32 $0x1B8E;
	s24 =	sld [smem:$0x3FFE];
	[sflag:s23] =	ssyncadd.s32 $0xFFFFFFFF  }
0xa5: {  	s26 =	simm.s32 $execute0_lowered;
	[smem:$0x3FD2] =	sst s25  }
0xa6: {  	s4 =	sshll.u32 s26, $0x1;
	_ =	strace $0x80000046;
	[dreg:$0x1] =	wrdreg $0xFFFFFFFF  }
0xa7: {  	s28 =	simm.s32 $_size_execute0_lowered;
	s2 =	sadd.s32 s2, s4;
	[dreg:$0x0] =	wrdreg $0x0  }
0xa8: {  	s4 =	sshll.u32 s28, $0x1;
	[dreg:$0x2] =	wrdreg s2  }
0xa9: {  	[dreg:$0x3] =	wrdreg s4  }
0xaa: {  	[dreg:$0x4] =	wrdreg $0xC0  }
0xab: {  	_ =	task [dreg:s6], $0x5FFFF  }
0xac: {  	[dreg:$0x1] =	wrdreg $0xFFFFFFFF  }
0xad: {  	[dreg:$0x0] =	wrdreg $0x60  }
0xae: {  	[dreg:$0x2] =	wrdreg s24  }
0xaf: {  	[dreg:$0x3] =	wrdreg $0x9  }
0xb0: {  	_ =	task.clear_ibuf [dreg:s6], $0x4FFFF;
	_ =	strace $0x90000046  }
0xb1: {  	s29 =	simm.s32 $0x9;
	_ =	strace $0x80000048  }
0xb2: {  	_ =	swait.ge [sflag:s29], $0x1  }
0xb3: {  	[sflag:s29] =	ssyncadd.s32 $0xFFFFFFFF  }
0xb4: {  	_ =	strace $0x90000048  }
0xb5: {  	_ =	sfence  }
0xb6: {  	s30 =	sld [smem:$0x0];
	_ =	sdelay $0x2  }
0xb7: {  	s31 =	sshll.u32 s1, $0xD;
	s1 =	sshrl.u32 s1, $0x2  }
0xb8: {  	s3 =	sand.u32 $0x4000, s31;
	s1 =	sadd.s32 s1, s30  }
0xb9: {  	s0 =	sor.u32 s3, s0;
	s1 =	sshll.u32 s1, $0x11  }
0xba: {  	s0 =	sor.u32 s1, s0  }
0xbb: {  	s0 =	sadd.s32 $0x8F2B, s0  }
0xbc: {  	[sflag:s0] =	ssyncadd.remote.s32 $0x1  }
0xbd: {  	_ =	sfence.sel $0xFFFF  }
0xbe: {  	[dreg:$0x0] =	wrdreg $0xFFFFFFFF;
	(pc) =	sbr.abs _section_cstart, $3  }
0xbf: {  	[dreg:$0x1] =	wrdreg $0xFFFFFFFF  }
0xc0: {  	_ =	task.clear_ibuf [dreg:s6], $0x2FFFF;
	_ =	strace $0x9FFFFFFF  }
0xc1: {  	(tm) =	ssettm $0x7FFFFFFF  }
tec
execute0_lowered:
.L_overlay_start_1:
0x0: {  	(tag) =	ssettag $0x1  }
0x1: {  	s0 =	rddreg [dreg:$0x0]  }
0x2: {  	s2 =	simm.s32 $0x0;
	s1 =	srdreg.scid;
	s3 =	stileid.u32  }
0x3: {  	s10 =	simm.s32 $0x200;
	s12 =	simm.s32 $0x1;
	s13 =	simm.s32 $0x80  }
0x4: {  	s14 =	simm.s32 $0xE800;
	s15 =	simm.s32 $0xF800;
	s17 =	simm.s32 $0x10800  }
0x5: {  	s19 =	simm.s32 $0x11800;
	s20 =	simm.s32 $0x12800;
	s22 =	simm.s32 $0x13800  }
0x6: {  	s24 =	simm.s32 $0x14800;
	s28 =	simm.s32 $0x2;
	s29 =	simm.s32 $0x20  }
0x7: {  	s30 =	simm.s32 $0x3;
	s31 =	simm.s32 $0x4;
	[smem:$0x7FF] =	sst s2  }
0x8: {  	s1 =	sand.u32 $0x1, s1;
	s3 =	sshll.u32 s3, $0x1;
	_ =	strace $0x80000047  }
0x9: {  	s6 =	sor.u32 s1, s3;
	s3 =	sadd.s32 $0x2CE800, s0;
	s1 =	ssub.s32 $0x2, s1  }
0xa: {  	s4 =	sshll.u32 s6, $0x6;
	s25 =	sshrl.u32 s1, $0x1;
	s26 =	sshll.u32 s6, $0xD  }
0xb: {  	s6 =	sshll.u32 s6, $0x10;
	s5 =	sadd.s32 s4, s0;
	s4 =	sadd.s32 $0x73D200, s0  }
0xc: {  	s0 =	ssub.s32 s1, s25;
	s25 =	simm.s32 $0x380;
	s1 =	simm.s32 $0x0  }
0xd: {  	s5 =	sadd.s32 $0x2800, s5;
	s7 =	smax.u32 s0, $0x1;
	s8 =	sadd.s32 s4, s26  }
0xe: {  	s26 =	simm.s32 $0x15800;
	s0 =	simm.s32 $0x5;
	s9 =	sadd.s32 $0x4, s8  }
.LBB2_1:
0xf: {  	s11 =	simm.s32 $0x4000  }
0x10: {  	[tilespmem:s2], [sflag:$0x1] =	stream.strided.gather [hbm4b:s5+s10], $0xE800, s11, s10, $0x38;
	[tilespmem:$0x16800] =	vst v63  }
0x11: {  	_ =	swait.ge [sflag:s12], $0xE800  }
0x12: {  	[sflag:s12] =	ssyncset.done $0x0  }
0x13: {  	[sflag:s12] =	ssyncadd.s32 $0xFFFF1800  }
0x14: {  	[tilespmem:s14], [sflag:$0x2] =	stream.indirect.gather [hbm4b:s3+s13], $0x20, s2, s13, $0xb8;
	[tilespmem:$0x16800] =	vst v63  }
0x15: {  	_ = 	snop  }
0x16: {  	[tilespmem:s15], [sflag:$0x2] =	stream.indirect.gather [hbm4b:s3+s13], $0x20, s13, s13, $0xb8;
	[tilespmem:$0x16800] =	vst v63  }
0x17: {  	s21 =	simm.s32 $0x100  }
0x18: {  	[tilespmem:s17], [sflag:$0x2] =	stream.indirect.gather [hbm4b:s3+s13], $0x20, s21, s13, $0xb8;
	[tilespmem:$0x16800] =	vst v63  }
0x19: {  	s23 =	simm.s32 $0x180  }
0x1a: {  	[tilespmem:s19], [sflag:$0x2] =	stream.indirect.gather [hbm4b:s3+s13], $0x20, s23, s13, $0xb8;
	[tilespmem:$0x16800] =	vst v63  }
0x1b: {  	_ = 	snop  }
0x1c: {  	[tilespmem:s20], [sflag:$0x3] =	stream.indirect.gather [hbm4b:s3+s13], $0x20, s10, s13, $0xb8;
	[tilespmem:$0x16800] =	vst v63  }
0x1d: {  	s16 =	simm.s32 $0x280  }
0x1e: {  	[tilespmem:s22], [sflag:$0x3] =	stream.indirect.gather [hbm4b:s3+s13], $0x20, s16, s13, $0xb8;
	[tilespmem:$0x16800] =	vst v63  }
0x1f: {  	s18 =	simm.s32 $0x300  }
0x20: {  	[tilespmem:s24], [sflag:$0x3] =	stream.indirect.gather [hbm4b:s3+s13], $0x20, s18, s13, $0xb8;
	[tilespmem:$0x16800] =	vst v63  }
0x21: {  	_ = 	snop  }
0x22: {  	[tilespmem:s26], [sflag:$0x3] =	stream.indirect.gather [hbm4b:s3+s13], $0x20, s25, s13, $0xb8;
	[tilespmem:$0x16800] =	vst v63  }
0x23: {  	_ =	swait.ge [sflag:s28], $0x1000  }
0x24: {  	[sflag:s28] =	ssyncset.done $0x0  }
0x25: {  	[sflag:s28] =	ssyncadd.s32 $0xFFFFF000  }
0x26: {  	_ =	swait.ge [sflag:s28], $0x1000  }
0x27: {  	[sflag:s28] =	ssyncset.done $0x0  }
0x28: {  	[sflag:s28] =	ssyncadd.s32 $0xFFFFF000  }
0x29: {  	_ =	swait.ge [sflag:s28], $0x1000  }
0x2a: {  	[sflag:s28] =	ssyncset.done $0x0  }
0x2b: {  	[sflag:s28] =	ssyncadd.s32 $0xFFFFF000  }
0x2c: {  	_ =	swait.ge [sflag:s28], $0x1000  }
0x2d: {  	[sflag:s28] =	ssyncset.done $0x0  }
0x2e: {  	[sflag:s28] =	ssyncadd.s32 $0xFFFFF000  }
0x2f: {  	[hbm4b:s8+s29] =	stream.strided.scatter [tilespmem:s14], [sflag:$0x4], $0x4000, s13, s29, $0x38;
	[tilespmem:$0x16800] =	vst v63  }
0x30: {  	_ =	swait.ge [sflag:s30], $0x1000  }
0x31: {  	[sflag:s30] =	ssyncset.done $0x0  }
0x32: {  	[sflag:s30] =	ssyncadd.s32 $0xFFFFF000  }
0x33: {  	_ =	swait.ge [sflag:s30], $0x1000  }
0x34: {  	[sflag:s30] =	ssyncset.done $0x0  }
0x35: {  	[sflag:s30] =	ssyncadd.s32 $0xFFFFF000  }
0x36: {  	_ =	swait.ge [sflag:s30], $0x1000  }
0x37: {  	[sflag:s30] =	ssyncset.done $0x0  }
0x38: {  	[sflag:s30] =	ssyncadd.s32 $0xFFFFF000  }
0x39: {  	_ =	swait.ge [sflag:s30], $0x1000  }
0x3a: {  	[sflag:s30] =	ssyncset.done $0x0  }
0x3b: {  	[sflag:s30] =	ssyncadd.s32 $0xFFFFF000  }
0x3c: {  	[hbm4b:s9+s29] =	stream.strided.scatter [tilespmem:s20], [sflag:$0x5], $0x4000, s13, s29, $0x38;
	[tilespmem:$0x16800] =	vst v63  }
0x3d: {  	_ =	swait.ge [sflag:s31], $0x4000  }
0x3e: {  	[sflag:s31] =	ssyncset.done $0x0  }
0x3f: {  	s21 =	simm.s32 $0x400;
	[sflag:s31] =	ssyncadd.s32 $0xFFFFC000  }
0x40: {  	[tilespmem:s14], [sflag:$0x2] =	stream.indirect.gather [hbm4b:s3+s13], $0x20, s21, s13, $0xb8;
	[tilespmem:$0x16800] =	vst v63  }
0x41: {  	s23 =	simm.s32 $0x480  }
0x42: {  	[tilespmem:s15], [sflag:$0x2] =	stream.indirect.gather [hbm4b:s3+s13], $0x20, s23, s13, $0xb8;
	[tilespmem:$0x16800] =	vst v63  }
0x43: {  	s16 =	simm.s32 $0x500  }
0x44: {  	[tilespmem:s17], [sflag:$0x2] =	stream.indirect.gather [hbm4b:s3+s13], $0x20, s16, s13, $0xb8;
	[tilespmem:$0x16800] =	vst v63  }
0x45: {  	s18 =	simm.s32 $0x580  }
0x46: {  	[tilespmem:s19], [sflag:$0x2] =	stream.indirect.gather [hbm4b:s3+s13], $0x20, s18, s13, $0xb8;
	[tilespmem:$0x16800] =	vst v63  }
0x47: {  	_ =	swait.ge [sflag:s0], $0x4000  }
0x48: {  	[sflag:s0] =	ssyncset.done $0x0  }
0x49: {  	s21 =	simm.s32 $0x600;
	[sflag:s0] =	ssyncadd.s32 $0xFFFFC000  }
0x4a: {  	[tilespmem:s20], [sflag:$0x3] =	stream.indirect.gather [hbm4b:s3+s13], $0x20, s21, s13, $0xb8;
	[tilespmem:$0x16800] =	vst v63  }
0x4b: {  	s23 =	simm.s32 $0x680  }
0x4c: {  	[tilespmem:s22], [sflag:$0x3] =	stream.indirect.gather [hbm4b:s3+s13], $0x20, s23, s13, $0xb8;
	[tilespmem:$0x16800] =	vst v63  }
0x4d: {  	s16 =	simm.s32 $0x700  }
0x4e: {  	[tilespmem:s24], [sflag:$0x3] =	stream.indirect.gather [hbm4b:s3+s13], $0x20, s16, s13, $0xb8;
	[tilespmem:$0x16800] =	vst v63  }
0x4f: {  	s18 =	simm.s32 $0x780  }
0x50: {  	[tilespmem:s26], [sflag:$0x3] =	stream.indirect.gather [hbm4b:s3+s13], $0x20, s18, s13, $0xb8;
	[tilespmem:$0x16800] =	vst v63  }
0x51: {  	_ =	swait.ge [sflag:s28], $0x1000  }
0x52: {  	[sflag:s28] =	ssyncset.done $0x0  }
0x53: {  	[sflag:s28] =	ssyncadd.s32 $0xFFFFF000  }
0x54: {  	_ =	swait.ge [sflag:s28], $0x1000  }
0x55: {  	[sflag:s28] =	ssyncset.done $0x0  }
0x56: {  	[sflag:s28] =	ssyncadd.s32 $0xFFFFF000  }
0x57: {  	s21 =	simm.s32 $0x40;
	_ =	swait.ge [sflag:s28], $0x1000  }
0x58: {  	s11 =	sand.u32 $0x40, s21;
	s16 =	simm.s32 $0x100000;
	[sflag:s28] =	ssyncset.done $0x0  }
0x59: {  	s11 =	sor.u32 s11, s6;
	s16 =	sand.u32 $0x3E00000, s16;
	[sflag:s28] =	ssyncadd.s32 $0xFFFFF000  }
0x5a: {  	s11 =	sor.u32 s16, s11;
	_ =	swait.ge [sflag:s28], $0x1000  }
0x5b: {  	s11 =	sshrl.u32 s11, $0x3;
	[sflag:s28] =	ssyncset.done $0x0  }
0x5c: {  	s11 =	sadd.s32 s4, s11;
	[sflag:s28] =	ssyncadd.s32 $0xFFFFF000  }
0x5d: {  	[hbm4b:s11+s29] =	stream.strided.scatter [tilespmem:s14], [sflag:$0x4], $0x4000, s13, s29, $0x38;
	[tilespmem:$0x16800] =	vst v63  }
0x5e: {  	_ =	swait.ge [sflag:s30], $0x1000  }
0x5f: {  	[sflag:s30] =	ssyncset.done $0x0  }
0x60: {  	[sflag:s30] =	ssyncadd.s32 $0xFFFFF000  }
0x61: {  	_ =	swait.ge [sflag:s30], $0x1000  }
0x62: {  	[sflag:s30] =	ssyncset.done $0x0  }
0x63: {  	[sflag:s30] =	ssyncadd.s32 $0xFFFFF000  }
0x64: {  	s23 =	simm.s32 $0x60;
	_ =	swait.ge [sflag:s30], $0x1000  }
0x65: {  	s11 =	sand.u32 $0x60, s23;
	[sflag:s30] =	ssyncset.done $0x0  }
0x66: {  	s18 =	sor.u32 s11, s6;
	[sflag:s30] =	ssyncadd.s32 $0xFFFFF000  }
0x67: {  	s11 =	simm.s32 $0x1000;
	s16 =	sor.u32 s16, s18;
	_ =	swait.ge [sflag:s30], $0x1000  }
0x68: {  	s18 =	sshrl.u32 s16, $0x3;
	s16 =	simm.s32 $0x200000;
	[sflag:s30] =	ssyncset.done $0x0  }
0x69: {  	s21 =	sadd.s32 s4, s18;
	s18 =	simm.s32 $0xA0;
	[sflag:s30] =	ssyncadd.s32 $0xFFFFF000  }
.LBB2_2:
0x6a: {  	[hbm4b:s21+s29] =	stream.strided.scatter [tilespmem:s20], [sflag:$0x5], $0x4000, s13, s29, $0x38;
	[tilespmem:$0x16800] =	vst v63  }
0x6b: {  	s21 =	smov.u32 s11  }
0x6c: {  	p0 =	sne.s32 s11, $0x38000;
	s11 =	sadd.s32 $0x1000, s11;
	_ =	swait.ge [sflag:s31], $0x4000  }
0x6d: {  	s21 =	sshra.s32 s21, $0x2;
	[sflag:s31] =	ssyncset.done $0x0  }
0x6e: {  	s23 =	sadd.s32 $0x400, s21;
	[sflag:s31] =	ssyncadd.s32 $0xFFFFC000  }
0x6f: {  	[tilespmem:s14], [sflag:$0x2] =	stream.indirect.gather [hbm4b:s3+s13], $0x20, s23, s13, $0xb8;
	[tilespmem:$0x16800] =	vst v63  }
0x70: {  	s23 =	sadd.s32 $0x480, s21  }
0x71: {  	[tilespmem:s15], [sflag:$0x2] =	stream.indirect.gather [hbm4b:s3+s13], $0x20, s23, s13, $0xb8;
	[tilespmem:$0x16800] =	vst v63  }
0x72: {  	s23 =	sadd.s32 $0x500, s21  }
0x73: {  	[tilespmem:s17], [sflag:$0x2] =	stream.indirect.gather [hbm4b:s3+s13], $0x20, s23, s13, $0xb8;
	[tilespmem:$0x16800] =	vst v63  }
0x74: {  	s23 =	sadd.s32 $0x580, s21  }
0x75: {  	[tilespmem:s19], [sflag:$0x2] =	stream.indirect.gather [hbm4b:s3+s13], $0x20, s23, s13, $0xb8;
	[tilespmem:$0x16800] =	vst v63  }
0x76: {  	_ =	swait.ge [sflag:s0], $0x4000  }
0x77: {  	[sflag:s0] =	ssyncset.done $0x0  }
0x78: {  	s23 =	sadd.s32 $0x600, s21;
	[sflag:s0] =	ssyncadd.s32 $0xFFFFC000  }
0x79: {  	[tilespmem:s20], [sflag:$0x3] =	stream.indirect.gather [hbm4b:s3+s13], $0x20, s23, s13, $0xb8;
	[tilespmem:$0x16800] =	vst v63  }
0x7a: {  	s23 =	sadd.s32 $0x680, s21  }
0x7b: {  	[tilespmem:s22], [sflag:$0x3] =	stream.indirect.gather [hbm4b:s3+s13], $0x20, s23, s13, $0xb8;
	[tilespmem:$0x16800] =	vst v63  }
0x7c: {  	s23 =	sadd.s32 $0x700, s21  }
0x7d: {  	[tilespmem:s24], [sflag:$0x3] =	stream.indirect.gather [hbm4b:s3+s13], $0x20, s23, s13, $0xb8;
	[tilespmem:$0x16800] =	vst v63  }
0x7e: {  	s21 =	sadd.s32 $0x780, s21  }
0x7f: {  	[tilespmem:s26], [sflag:$0x3] =	stream.indirect.gather [hbm4b:s3+s13], $0x20, s21, s13, $0xb8;
	[tilespmem:$0x16800] =	vst v63  }
0x80: {  	_ =	swait.ge [sflag:s28], $0x1000  }
0x81: {  	[sflag:s28] =	ssyncset.done $0x0  }
0x82: {  	[sflag:s28] =	ssyncadd.s32 $0xFFFFF000  }
0x83: {  	_ =	swait.ge [sflag:s28], $0x1000  }
0x84: {  	[sflag:s28] =	ssyncset.done $0x0  }
0x85: {  	[sflag:s28] =	ssyncadd.s32 $0xFFFFF000  }
0x86: {  	s21 =	sadd.s32 $0xFFFFFFE0, s18;
	_ =	swait.ge [sflag:s28], $0x1000  }
0x87: {  	s21 =	sand.u32 $0x40, s21;
	[sflag:s28] =	ssyncset.done $0x0  }
0x88: {  	s23 =	sand.u32 $0x3E00000, s16;
	s21 =	sor.u32 s21, s6;
	[sflag:s28] =	ssyncadd.s32 $0xFFFFF000  }
0x89: {  	s21 =	sor.u32 s23, s21;
	_ =	swait.ge [sflag:s28], $0x1000  }
0x8a: {  	s21 =	sshrl.u32 s21, $0x3;
	[sflag:s28] =	ssyncset.done $0x0  }
0x8b: {  	s21 =	sadd.s32 s4, s21;
	[sflag:s28] =	ssyncadd.s32 $0xFFFFF000  }
0x8c: {  	[hbm4b:s21+s29] =	stream.strided.scatter [tilespmem:s14], [sflag:$0x4], $0x4000, s13, s29, $0x38;
	[tilespmem:$0x16800] =	vst v63  }
0x8d: {  	_ =	swait.ge [sflag:s30], $0x1000  }
0x8e: {  	[sflag:s30] =	ssyncset.done $0x0  }
0x8f: {  	[sflag:s30] =	ssyncadd.s32 $0xFFFFF000  }
0x90: {  	_ =	swait.ge [sflag:s30], $0x1000  }
0x91: {  	[sflag:s30] =	ssyncset.done $0x0  }
0x92: {  	[sflag:s30] =	ssyncadd.s32 $0xFFFFF000  }
0x93: {  	_ =	swait.ge [sflag:s30], $0x1000  }
.Ltmp0:
0x94: {  	s21 =	sand.u32 $0x60, s18;
	[sflag:s30] =	ssyncset.done $0x0;
	(pc) =	sbr.rel @p0 .LBB2_2-.Ltmp0, $4  }
0x95: {  	s21 =	sor.u32 s21, s6;
	[sflag:s30] =	ssyncadd.s32 $0xFFFFF000  }
0x96: {  	s21 =	sor.u32 s23, s21;
	_ =	swait.ge [sflag:s30], $0x1000  }
0x97: {  	s16 =	sadd.s32 $0x100000, s16;
	s21 =	sshrl.u32 s21, $0x3;
	[sflag:s30] =	ssyncset.done $0x0  }
0x98: {  	s18 =	sadd.s32 $0x40, s18;
	s21 =	sadd.s32 s4, s21;
	[sflag:s30] =	ssyncadd.s32 $0xFFFFF000  }
0x99: {  	[hbm4b:s21+s29] =	stream.strided.scatter [tilespmem:s20], [sflag:$0x5], $0x4000, s13, s29, $0x38;
	[tilespmem:$0x16800] =	vst v63  }
0x9a: {  	s1 =	sadd.s32 $0x1, s1  }
0x9b: {  	_ =	swait.ge [sflag:s31], $0x4000;
	p0 =	sne.s32 s1, s7  }
.Ltmp1:
0x9c: {  	[sflag:s31] =	ssyncset.done $0x0;
	(pc) =	sbr.rel @p0 .LBB2_1-.Ltmp1, $4  }
0x9d: {  	[sflag:s31] =	ssyncadd.s32 $0xFFFFC000  }
0x9e: {  	_ =	swait.ge [sflag:s0], $0x4000  }
0x9f: {  	[sflag:s0] =	ssyncset.done $0x0  }
0xa0: {  	[sflag:s0] =	ssyncadd.s32 $0xFFFFC000  }
0xa1: {  	_ =	sfence.sel $0x180000  }
0xa2: {  	[bflag:$0x0] =	sbarrier.arrive $0xFFFF  }
0xa3: {  	_ =	strace $0x90000047  }
0xa4: {  	s0 =	stileid.u32;
	[bflag:$0x2] =	sbarrier.arrive $0xFFFF  }
0xa5: {  	p0 =	sne.s32 s0, $0x0;
	s0 =	rddreg [dreg:$0x1]  }
0xa6: {  	s0 =	sadd.s32 @!p0 $0x100000, s0  }
0xa7: {  	[sflag:s0] =	ssyncadd.tile.s32 @!p0 $0x1;
	_ =	shalt  }
.Lfunc_end2:
_tile_overlayer_lowered:
.L_overlay_start_2:
0xa8: {  	(tag) =	ssettag $0x2  }
0xa9: {  	s0 =	rddreg [dreg:$0x0];
	s2 =	stileid.u32  }
0xaa: {  	s1 =	rddreg [dreg:$0x1];
	p0 =	sne.s32 s2, $0x0  }
0xab: {  	s3 =	rddreg [dreg:$0x2];
	[bflag:$0x3] =	sbarrier.arrive $0xFFFF;
	s2 =	simm.s32 @!p0 $0x1C06  }
0xac: {  	[timem:s3], [sflag:s2] =	dma.local @!p0 [hbm:s0], s1  }
0xad: {  	s0 =	simm.s32 @!p0 $0x6  }
0xae: {  	_ =	swait.ge @!p0 [sflag:s0], s1  }
0xaf: {  	s1 =	ssub.s32 @!p0 $0x0, s1;
	[sflag:s0] =	ssyncset.done @!p0 $0x0  }
0xb0: {  	[sflag:s0] =	ssyncadd.s32 @!p0 s1  }
0xb1: {  	[bflag:$0x3] =	sbarrier.arrive $0xFFFF  }
0xb2: {  	_ =	shalt  }

</sc_bundles>
